<compile_context>
chip_gen: v7x
topology: tpu7x:2x2x1
jax: 0.10.2.dev20260603
libtpu: 0.0.44.dev20260713+nightly
codegen_flags: <defaults>
</compile_context>

<pallas_src>
import functools
import math

import jax
import jax.numpy as jnp
from jax import lax
from jax.experimental import pallas as pl
from jax.experimental.pallas import tpu as pltpu
from jax.experimental.pallas import tpu_sc as plsc

_NUM_CORES = 2
_NUM_SUBCORES = 16
_NUM_WORKERS = _NUM_CORES * _NUM_SUBCORES
_LANES = 16

_D = 64
_SCALE = math.sqrt(_D)
_GROUP = 128
_CHUNK = 512
_GPC = _CHUNK // _GROUP


@functools.partial(jax.jit, static_argnames=("batch",))
def _embed(lut, idx2d, batch):
    n_rows = batch
    rows_per_w = n_rows // _NUM_WORKERS
    chunks_per_w = rows_per_w // _CHUNK
    groups_per_w = rows_per_w // _GROUP

    mesh = plsc.VectorSubcoreMesh(
        core_axis_name="c", subcore_axis_name="s",
        num_cores=_NUM_CORES, num_subcores=_NUM_SUBCORES,
    )

    @functools.partial(
        pl.kernel,
        mesh=mesh,
        out_type=jax.ShapeDtypeStruct((n_rows, _D), jnp.float32),
        scratch_types=[
            pltpu.VMEM((2, _GPC, _GROUP), jnp.int32),
            pltpu.VMEM((2, _CHUNK, _D), jnp.float32),
            pltpu.SemaphoreType.DMA,
            pltpu.SemaphoreType.DMA,
        ],
        compiler_params=pltpu.CompilerParams(use_tc_tiling_on_sc=False),
    )
    def k(table_hbm, idx_hbm, out_hbm, idx_v, rows_v, sem_g, sem_o):
        wid = lax.axis_index("s") * _NUM_CORES + lax.axis_index("c")
        gbase = wid * groups_per_w
        rbase = wid * rows_per_w
        n_chunks = chunks_per_w

        def issue_gathers(i, b):
            pltpu.sync_copy(idx_hbm.at[pl.ds(gbase + i * _GPC, _GPC)],
                            idx_v.at[b])
            for j in range(_GPC):
                pltpu.async_copy(
                    table_hbm.at[idx_v.at[b, j]],
                    rows_v.at[b, pl.ds(j * _GROUP, _GROUP)],
                    sem_g,
                )

        def drain_gathers(b):
            pltpu.make_async_copy(out_hbm.at[pl.ds(0, _CHUNK)],
                                  rows_v.at[b], sem_g).wait()

        def drain_out(b):
            pltpu.make_async_copy(rows_v.at[b],
                                  out_hbm.at[pl.ds(0, _CHUNK)], sem_o).wait()

        def scale_chunk(b):
            @plsc.parallel_loop(0, _CHUNK, unroll=4)
            def _(r):
                for c in range(_D // _LANES):
                    sl = pl.ds(c * _LANES, _LANES)
                    rows_v[b, r, sl] = rows_v[b, r, sl] * _SCALE

        issue_gathers(0, 0)

        def pair_body(ii, carry):
            for b in range(2):
                i = 2 * ii + b
                q = 1 - b
                drain_gathers(b)

                @pl.when(i + 1 < n_chunks)
                def _():
                    @pl.when(i > 0)
                    def _():
                        drain_out(q)
                    issue_gathers(i + 1, q)

                scale_chunk(b)
                pltpu.async_copy(rows_v.at[b],
                                 out_hbm.at[pl.ds(rbase + i * _CHUNK, _CHUNK)],
                                 sem_o)
            return carry

        lax.fori_loop(0, n_chunks // 2, pair_body, 0)
        drain_out(0)
        drain_out(1)

    return k(lut, idx2d)


def kernel(x, lut):
    b, h = x.shape
    batch = b * h
    idx2d = x.reshape(batch // _GROUP, _GROUP)
    out = _embed(lut, idx2d, batch)
    return out.reshape(b, h, _D)

# --- scband reference (transcript-rebuilt; emitter-appended) ---
"""Pipeline reference for scband-embeddings-12051678232954 (READ-ONLY COPY).

The authoritative reference and input builder live on the scoring server;
editing this copy changes nothing except your own understanding.
"""

import jax, jax.numpy as jnp
import numpy as np

D_MODEL = 64
VOCAB = 1000000
BATCH = 16384
HIST = 50

def setup_inputs(seed: int = 0) -> dict:
    key = jax.random.key(seed)
    k_idx, k_tab = jax.random.split(key)
    x = jax.random.randint(k_idx, (BATCH, HIST), 0, VOCAB, dtype=jnp.int64 if jax.config.jax_enable_x64 else jnp.int32)
    lut = jax.random.normal(k_tab, (VOCAB, D_MODEL), dtype=jnp.float32) * 0.02
    return {"x": x, "lut": lut}

def reference(x, lut):
    # Embeddings.forward: self.lut(x) * sqrt(d_model)
    scale = jnp.float32(np.sqrt(D_MODEL))
    return jnp.take(lut, x, axis=0) * scale

if __name__ == "__main__":
    import jax
    _d = setup_inputs()
    print(jax.jit(kernel)(*tuple(_d.values())))

</pallas_src>

<mosaic_0001>
#map = affine_map<(d0, d1) -> (0, 0)>
module attributes {stable_mosaic.version = 14 : i64} {
  func.func @k(%arg0: i32, %arg1: i32, %arg2: memref<1000000x64xf32, #tpu.memory_space<hbm>>, %arg3: memref<6400x128xi32, #tpu.memory_space<hbm>>, %arg4: memref<819200x64xf32, #tpu.memory_space<hbm>>, %arg5: memref<2x4x128xi32, #tpu.memory_space<vmem>>, %arg6: memref<2x512x64xf32, #tpu.memory_space<vmem>>, %arg7: memref<!tpu.dma_semaphore, #tpu.memory_space<semaphore_mem>>, %arg8: memref<!tpu.dma_semaphore, #tpu.memory_space<semaphore_mem>>) attributes {dimension_semantics = [#tpu.dimension_semantics<core_parallel>, #tpu.dimension_semantics<subcore_parallel>], iteration_bounds = array<i64: 2, 16>, scalar_prefetch = 0 : i64, scratch_operands = 4 : i64, tpu.core_type = #tpu.core_type<sc_vector_subcore>, window_params = [{transform_indices = #map}, {transform_indices = #map}, {transform_indices = #map}]} {
    %mul3A = arith.constant 2 : i32
    %mul3A_0 = arith.muli %arg1, %mul3A : i32
    %add3A = arith.addi %mul3A_0, %arg0 : i32
    %mul3A_1 = arith.constant 200 : i32
    %mul3A_2 = arith.muli %add3A, %mul3A_1 : i32
    %mul3A_3 = arith.constant 25600 : i32
    %mul3A_4 = arith.muli %add3A, %mul3A_3 : i32
    %add3A_5 = arith.constant 0 : i32
    %add3A_6 = arith.addi %mul3A_2, %add3A_5 : i32
    %run_scoped3A = arith.constant 0 : i32
    "tpu.region"() ({
      %run_scoped3A_92 = tpu.sem_alloc : memref<!tpu.dma_semaphore, #tpu.memory_space<semaphore_mem>>
      %dma_start3A_93 = arith.constant 0 : i32
      %dma_start3A_94 = arith.constant 0 : i32
      %dma_start3A_95 = tpu.memref_slice %arg5[%run_scoped3A, %dma_start3A_93, %dma_start3A_94] : memref<2x4x128xi32, #tpu.memory_space<vmem>> -> memref<1x4x128xi32, #tpu.memory_space<vmem>>
      %dma_start3A_96 = tpu.memref_squeeze %dma_start3A_95 : memref<1x4x128xi32, #tpu.memory_space<vmem>> -> memref<4x128xi32, #tpu.memory_space<vmem>>
      %dma_start3A_97 = arith.constant 0 : i32
      %dma_start3A_98 = tpu.memref_slice %arg3[%add3A_6, %dma_start3A_97] : memref<6400x128xi32, #tpu.memory_space<hbm>> -> memref<4x128xi32, #tpu.memory_space<hbm>>
      %dma_start3A_99 = arith.constant 0 : i32
      %dma_start3A_100 = arith.constant 0 : i32
      %dma_start3A_101 = tpu.memref_slice %arg5[%run_scoped3A, %dma_start3A_99, %dma_start3A_100] : memref<2x4x128xi32, #tpu.memory_space<vmem>> -> memref<1x4x128xi32, #tpu.memory_space<vmem>>
      %dma_start3A_102 = tpu.memref_squeeze %dma_start3A_101 : memref<1x4x128xi32, #tpu.memory_space<vmem>> -> memref<4x128xi32, #tpu.memory_space<vmem>>
      %dma_start3A_103 = arith.constant 0 : i32
      %dma_start3A_104 = tpu.memref_slice %arg3[%add3A_6, %dma_start3A_103] : memref<6400x128xi32, #tpu.memory_space<hbm>> -> memref<4x128xi32, #tpu.memory_space<hbm>>
      tpu.enqueue_dma source(%dma_start3A_104 : memref<4x128xi32, #tpu.memory_space<hbm>>) target(%dma_start3A_102 : memref<4x128xi32, #tpu.memory_space<vmem>>) target_semaphore(%run_scoped3A_92 : memref<!tpu.dma_semaphore, #tpu.memory_space<semaphore_mem>>)
      %dma_wait3A_105 = arith.constant 0 : i32
      %dma_wait3A_106 = arith.constant 0 : i32
      %dma_wait3A_107 = tpu.memref_slice %arg5[%run_scoped3A, %dma_wait3A_105, %dma_wait3A_106] : memref<2x4x128xi32, #tpu.memory_space<vmem>> -> memref<1x4x128xi32, #tpu.memory_space<vmem>>
      %dma_wait3A_108 = tpu.memref_squeeze %dma_wait3A_107 : memref<1x4x128xi32, #tpu.memory_space<vmem>> -> memref<4x128xi32, #tpu.memory_space<vmem>>
      %dma_wait3A_109 = arith.constant 0 : i32
      %dma_wait3A_110 = tpu.memref_slice %arg3[%add3A_6, %dma_wait3A_109] : memref<6400x128xi32, #tpu.memory_space<hbm>> -> memref<4x128xi32, #tpu.memory_space<hbm>>
      %dma_wait3A_111 = arith.constant 0 : i32
      %dma_wait3A_112 = arith.constant 0 : i32
      %dma_wait3A_113 = tpu.memref_slice %arg5[%run_scoped3A, %dma_wait3A_111, %dma_wait3A_112] : memref<2x4x128xi32, #tpu.memory_space<vmem>> -> memref<1x4x128xi32, #tpu.memory_space<vmem>>
      %dma_wait3A_114 = tpu.memref_squeeze %dma_wait3A_113 : memref<1x4x128xi32, #tpu.memory_space<vmem>> -> memref<4x128xi32, #tpu.memory_space<vmem>>
      %dma_wait3A_115 = arith.constant 0 : i32
      %dma_wait3A_116 = tpu.memref_slice %arg3[%add3A_6, %dma_wait3A_115] : memref<6400x128xi32, #tpu.memory_space<hbm>> -> memref<4x128xi32, #tpu.memory_space<hbm>>
      tpu.wait_dma2 semaphore(%run_scoped3A_92 : memref<!tpu.dma_semaphore, #tpu.memory_space<semaphore_mem>>) src(%dma_wait3A_116 : memref<4x128xi32, #tpu.memory_space<hbm>>) dst(%dma_wait3A_114 : memref<4x128xi32, #tpu.memory_space<vmem>>)
      tpu.yield
    }) : () -> ()
    %dma_start3A = arith.constant 0 : i32
    %dma_start3A_7 = arith.constant 0 : i32
    %dma_start3A_8 = arith.constant 0 : i32
    %dma_start3A_9 = arith.constant 0 : i32
    %dma_start3A_10 = arith.constant 0 : i32
    %dma_start3A_11 = tpu.memref_slice %arg6[%dma_start3A_8, %dma_start3A_9, %dma_start3A_10] : memref<2x512x64xf32, #tpu.memory_space<vmem>> -> memref<1x128x64xf32, #tpu.memory_space<vmem>>
    %dma_start3A_12 = tpu.memref_squeeze %dma_start3A_11 : memref<1x128x64xf32, #tpu.memory_space<vmem>> -> memref<128x64xf32, #tpu.memory_space<vmem>>
    %dma_start3A_13 = arith.constant 0 : i32
    %dma_start3A_14 = tpu.memref_slice %arg5[%dma_start3A, %dma_start3A_7, %dma_start3A_13] : memref<2x4x128xi32, #tpu.memory_space<vmem>> -> memref<1x1x128xi32, #tpu.memory_space<vmem>>
    %dma_start3A_15 = tpu.memref_squeeze %dma_start3A_14 : memref<1x1x128xi32, #tpu.memory_space<vmem>> -> memref<128xi32, #tpu.memory_space<vmem>>
    %dma_start3A_16 = arith.constant 0 : i32
    %dma_start3A_17 = arith.constant 0 : i32
    %dma_start3A_18 = tpu.memref_slice %arg2[%dma_start3A_16, %dma_start3A_17] : memref<1000000x64xf32, #tpu.memory_space<hbm>> -> memref<1000000x64xf32, #tpu.memory_space<hbm>>
    tpu.enqueue_indirect_dma source(%dma_start3A_18 : memref<1000000x64xf32, #tpu.memory_space<hbm>>) target(%dma_start3A_12 : memref<128x64xf32, #tpu.memory_space<vmem>>) offsets(%dma_start3A_15 : memref<128xi32, #tpu.memory_space<vmem>>) semaphore(%arg7 : memref<!tpu.dma_semaphore, #tpu.memory_space<semaphore_mem>>)
    %dma_start3A_19 = arith.constant 0 : i32
    %dma_start3A_20 = arith.constant 1 : i32
    %dma_start3A_21 = arith.constant 0 : i32
    %dma_start3A_22 = arith.constant 128 : i32
    %dma_start3A_23 = arith.constant 0 : i32
    %dma_start3A_24 = tpu.memref_slice %arg6[%dma_start3A_21, %dma_start3A_22, %dma_start3A_23] : memref<2x512x64xf32, #tpu.memory_space<vmem>> -> memref<1x128x64xf32, #tpu.memory_space<vmem>>
    %dma_start3A_25 = tpu.memref_squeeze %dma_start3A_24 : memref<1x128x64xf32, #tpu.memory_space<vmem>> -> memref<128x64xf32, #tpu.memory_space<vmem>>
    %dma_start3A_26 = arith.constant 0 : i32
    %dma_start3A_27 = tpu.memref_slice %arg5[%dma_start3A_19, %dma_start3A_20, %dma_start3A_26] : memref<2x4x128xi32, #tpu.memory_space<vmem>> -> memref<1x1x128xi32, #tpu.memory_space<vmem>>
    %dma_start3A_28 = tpu.memref_squeeze %dma_start3A_27 : memref<1x1x128xi32, #tpu.memory_space<vmem>> -> memref<128xi32, #tpu.memory_space<vmem>>
    %dma_start3A_29 = arith.constant 0 : i32
    %dma_start3A_30 = arith.constant 0 : i32
    %dma_start3A_31 = tpu.memref_slice %arg2[%dma_start3A_29, %dma_start3A_30] : memref<1000000x64xf32, #tpu.memory_space<hbm>> -> memref<1000000x64xf32, #tpu.memory_space<hbm>>
    tpu.enqueue_indirect_dma source(%dma_start3A_31 : memref<1000000x64xf32, #tpu.memory_space<hbm>>) target(%dma_start3A_25 : memref<128x64xf32, #tpu.memory_space<vmem>>) offsets(%dma_start3A_28 : memref<128xi32, #tpu.memory_space<vmem>>) semaphore(%arg7 : memref<!tpu.dma_semaphore, #tpu.memory_space<semaphore_mem>>)
    %dma_start3A_32 = arith.constant 0 : i32
    %dma_start3A_33 = arith.constant 2 : i32
    %dma_start3A_34 = arith.constant 0 : i32
    %dma_start3A_35 = arith.constant 256 : i32
    %dma_start3A_36 = arith.constant 0 : i32
    %dma_start3A_37 = tpu.memref_slice %arg6[%dma_start3A_34, %dma_start3A_35, %dma_start3A_36] : memref<2x512x64xf32, #tpu.memory_space<vmem>> -> memref<1x128x64xf32, #tpu.memory_space<vmem>>
    %dma_start3A_38 = tpu.memref_squeeze %dma_start3A_37 : memref<1x128x64xf32, #tpu.memory_space<vmem>> -> memref<128x64xf32, #tpu.memory_space<vmem>>
    %dma_start3A_39 = arith.constant 0 : i32
    %dma_start3A_40 = tpu.memref_slice %arg5[%dma_start3A_32, %dma_start3A_33, %dma_start3A_39] : memref<2x4x128xi32, #tpu.memory_space<vmem>> -> memref<1x1x128xi32, #tpu.memory_space<vmem>>
    %dma_start3A_41 = tpu.memref_squeeze %dma_start3A_40 : memref<1x1x128xi32, #tpu.memory_space<vmem>> -> memref<128xi32, #tpu.memory_space<vmem>>
    %dma_start3A_42 = arith.constant 0 : i32
    %dma_start3A_43 = arith.constant 0 : i32
    %dma_start3A_44 = tpu.memref_slice %arg2[%dma_start3A_42, %dma_start3A_43] : memref<1000000x64xf32, #tpu.memory_space<hbm>> -> memref<1000000x64xf32, #tpu.memory_space<hbm>>
    tpu.enqueue_indirect_dma source(%dma_start3A_44 : memref<1000000x64xf32, #tpu.memory_space<hbm>>) target(%dma_start3A_38 : memref<128x64xf32, #tpu.memory_space<vmem>>) offsets(%dma_start3A_41 : memref<128xi32, #tpu.memory_space<vmem>>) semaphore(%arg7 : memref<!tpu.dma_semaphore, #tpu.memory_space<semaphore_mem>>)
    %dma_start3A_45 = arith.constant 0 : i32
    %dma_start3A_46 = arith.constant 3 : i32
    %dma_start3A_47 = arith.constant 0 : i32
    %dma_start3A_48 = arith.constant 384 : i32
    %dma_start3A_49 = arith.constant 0 : i32
    %dma_start3A_50 = tpu.memref_slice %arg6[%dma_start3A_47, %dma_start3A_48, %dma_start3A_49] : memref<2x512x64xf32, #tpu.memory_space<vmem>> -> memref<1x128x64xf32, #tpu.memory_space<vmem>>
    %dma_start3A_51 = tpu.memref_squeeze %dma_start3A_50 : memref<1x128x64xf32, #tpu.memory_space<vmem>> -> memref<128x64xf32, #tpu.memory_space<vmem>>
    %dma_start3A_52 = arith.constant 0 : i32
    %dma_start3A_53 = tpu.memref_slice %arg5[%dma_start3A_45, %dma_start3A_46, %dma_start3A_52] : memref<2x4x128xi32, #tpu.memory_space<vmem>> -> memref<1x1x128xi32, #tpu.memory_space<vmem>>
    %dma_start3A_54 = tpu.memref_squeeze %dma_start3A_53 : memref<1x1x128xi32, #tpu.memory_space<vmem>> -> memref<128xi32, #tpu.memory_space<vmem>>
    %dma_start3A_55 = arith.constant 0 : i32
    %dma_start3A_56 = arith.constant 0 : i32
    %dma_start3A_57 = tpu.memref_slice %arg2[%dma_start3A_55, %dma_start3A_56] : memref<1000000x64xf32, #tpu.memory_space<hbm>> -> memref<1000000x64xf32, #tpu.memory_space<hbm>>
    tpu.enqueue_indirect_dma source(%dma_start3A_57 : memref<1000000x64xf32, #tpu.memory_space<hbm>>) target(%dma_start3A_51 : memref<128x64xf32, #tpu.memory_space<vmem>>) offsets(%dma_start3A_54 : memref<128xi32, #tpu.memory_space<vmem>>) semaphore(%arg7 : memref<!tpu.dma_semaphore, #tpu.memory_space<semaphore_mem>>)
    %scan3A = arith.constant 0 : i32
    %scan3A_58 = arith.constant 0 : i32
    %scan3A_59 = arith.constant 25 : i32
    %scan3A_60 = arith.addi %scan3A_58, %scan3A_59 : i32
    %scan3A_61 = arith.constant 1 : i32
    scf.for %scan3A_92 = %scan3A_58 to %scan3A_60 step %scan3A_61  : i32 {
      %mul3A_93 = arith.constant 2 : i32
      %mul3A_94 = arith.muli %mul3A_93, %scan3A_92 : i32
      %add3A_95 = arith.constant 0 : i32
      %add3A_96 = arith.addi %mul3A_94, %add3A_95 : i32
      %dma_wait3A_97 = arith.constant 0 : i32
      %dma_wait3A_98 = arith.constant 0 : i32
      %dma_wait3A_99 = arith.constant 0 : i32
      %dma_wait3A_100 = tpu.memref_slice %arg6[%dma_wait3A_97, %dma_wait3A_98, %dma_wait3A_99] : memref<2x512x64xf32, #tpu.memory_space<vmem>> -> memref<1x512x64xf32, #tpu.memory_space<vmem>>
      %dma_wait3A_101 = tpu.memref_squeeze %dma_wait3A_100 : memref<1x512x64xf32, #tpu.memory_space<vmem>> -> memref<512x64xf32, #tpu.memory_space<vmem>>
      %dma_wait3A_102 = arith.constant 0 : i32
      %dma_wait3A_103 = arith.constant 0 : i32
      %dma_wait3A_104 = tpu.memref_slice %arg4[%dma_wait3A_102, %dma_wait3A_103] : memref<819200x64xf32, #tpu.memory_space<hbm>> -> memref<512x64xf32, #tpu.memory_space<hbm>>
      %dma_wait3A_105 = arith.constant 0 : i32
      %dma_wait3A_106 = arith.constant 0 : i32
      %dma_wait3A_107 = tpu.memref_slice %arg6[%dma_wait3A_97, %dma_wait3A_105, %dma_wait3A_106] : memref<2x512x64xf32, #tpu.memory_space<vmem>> -> memref<1x512x64xf32, #tpu.memory_space<vmem>>
      %dma_wait3A_108 = tpu.memref_squeeze %dma_wait3A_107 : memref<1x512x64xf32, #tpu.memory_space<vmem>> -> memref<512x64xf32, #tpu.memory_space<vmem>>
      %dma_wait3A_109 = arith.constant 0 : i32
      %dma_wait3A_110 = arith.constant 0 : i32
      %dma_wait3A_111 = tpu.memref_slice %arg4[%dma_wait3A_109, %dma_wait3A_110] : memref<819200x64xf32, #tpu.memory_space<hbm>> -> memref<512x64xf32, #tpu.memory_space<hbm>>
      tpu.wait_dma2 semaphore(%arg7 : memref<!tpu.dma_semaphore, #tpu.memory_space<semaphore_mem>>) src(%dma_wait3A_111 : memref<512x64xf32, #tpu.memory_space<hbm>>) dst(%dma_wait3A_108 : memref<512x64xf32, #tpu.memory_space<vmem>>)
      %add3A_112 = arith.constant 1 : i32
      %add3A_113 = arith.addi %add3A_96, %add3A_112 : i32
      %lt3A = arith.constant 50 : i32
      %lt3A_114 = arith.cmpi slt, %add3A_113, %lt3A : i32
      %convert_element_type3A = arith.extui %lt3A_114 : i1 to i32
      %cond3A = arith.constant 0 : i32
      %cond3A_115 = arith.cmpi ne, %convert_element_type3A, %cond3A : i32
      scf.if %cond3A_115 {
        %gt3A = arith.constant 0 : i32
        %gt3A_179 = arith.cmpi sgt, %add3A_96, %gt3A : i32
        %convert_element_type3A_180 = arith.extui %gt3A_179 : i1 to i32
        %cond3A_181 = arith.constant 0 : i32
        %cond3A_182 = arith.cmpi ne, %convert_element_type3A_180, %cond3A_181 : i32
        scf.if %cond3A_182 {
          %dma_wait3A_241 = arith.constant 1 : i32
          %dma_wait3A_242 = arith.constant 0 : i32
          %dma_wait3A_243 = arith.constant 0 : i32
          %dma_wait3A_244 = tpu.memref_slice %arg6[%dma_wait3A_241, %dma_wait3A_242, %dma_wait3A_243] : memref<2x512x64xf32, #tpu.memory_space<vmem>> -> memref<1x512x64xf32, #tpu.memory_space<vmem>>
          %dma_wait3A_245 = tpu.memref_squeeze %dma_wait3A_244 : memref<1x512x64xf32, #tpu.memory_space<vmem>> -> memref<512x64xf32, #tpu.memory_space<vmem>>
          %dma_wait3A_246 = arith.constant 0 : i32
          %dma_wait3A_247 = arith.constant 0 : i32
          %dma_wait3A_248 = tpu.memref_slice %arg4[%dma_wait3A_246, %dma_wait3A_247] : memref<819200x64xf32, #tpu.memory_space<hbm>> -> memref<512x64xf32, #tpu.memory_space<hbm>>
          %dma_wait3A_249 = arith.constant 0 : i32
          %dma_wait3A_250 = arith.constant 0 : i32
          %dma_wait3A_251 = tpu.memref_slice %arg4[%dma_wait3A_249, %dma_wait3A_250] : memref<819200x64xf32, #tpu.memory_space<hbm>> -> memref<512x64xf32, #tpu.memory_space<hbm>>
          %dma_wait3A_252 = arith.constant 0 : i32
          %dma_wait3A_253 = arith.constant 0 : i32
          %dma_wait3A_254 = tpu.memref_slice %arg6[%dma_wait3A_241, %dma_wait3A_252, %dma_wait3A_253] : memref<2x512x64xf32, #tpu.memory_space<vmem>> -> memref<1x512x64xf32, #tpu.memory_space<vmem>>
          %dma_wait3A_255 = tpu.memref_squeeze %dma_wait3A_254 : memref<1x512x64xf32, #tpu.memory_space<vmem>> -> memref<512x64xf32, #tpu.memory_space<vmem>>
          tpu.wait_dma2 semaphore(%arg8 : memref<!tpu.dma_semaphore, #tpu.memory_space<semaphore_mem>>) src(%dma_wait3A_255 : memref<512x64xf32, #tpu.memory_space<vmem>>) dst(%dma_wait3A_251 : memref<512x64xf32, #tpu.memory_space<hbm>>)
        } else {
        }
        %add3A_183 = arith.constant 1 : i32
        %add3A_184 = arith.addi %add3A_96, %add3A_183 : i32
        %mul3A_185 = arith.constant 4 : i32
        %mul3A_186 = arith.muli %add3A_184, %mul3A_185 : i32
        %add3A_187 = arith.addi %mul3A_2, %mul3A_186 : i32
        %run_scoped3A_188 = arith.constant 1 : i32
        "tpu.region"() ({
          %run_scoped3A_241 = tpu.sem_alloc : memref<!tpu.dma_semaphore, #tpu.memory_space<semaphore_mem>>
          %dma_start3A_242 = arith.constant 0 : i32
          %dma_start3A_243 = arith.constant 0 : i32
          %dma_start3A_244 = tpu.memref_slice %arg5[%run_scoped3A_188, %dma_start3A_242, %dma_start3A_243] : memref<2x4x128xi32, #tpu.memory_space<vmem>> -> memref<1x4x128xi32, #tpu.memory_space<vmem>>
          %dma_start3A_245 = tpu.memref_squeeze %dma_start3A_244 : memref<1x4x128xi32, #tpu.memory_space<vmem>> -> memref<4x128xi32, #tpu.memory_space<vmem>>
          %dma_start3A_246 = arith.constant 0 : i32
          %dma_start3A_247 = tpu.memref_slice %arg3[%add3A_187, %dma_start3A_246] : memref<6400x128xi32, #tpu.memory_space<hbm>> -> memref<4x128xi32, #tpu.memory_space<hbm>>
          %dma_start3A_248 = arith.constant 0 : i32
          %dma_start3A_249 = arith.constant 0 : i32
          %dma_start3A_250 = tpu.memref_slice %arg5[%run_scoped3A_188, %dma_start3A_248, %dma_start3A_249] : memref<2x4x128xi32, #tpu.memory_space<vmem>> -> memref<1x4x128xi32, #tpu.memory_space<vmem>>
          %dma_start3A_251 = tpu.memref_squeeze %dma_start3A_250 : memref<1x4x128xi32, #tpu.memory_space<vmem>> -> memref<4x128xi32, #tpu.memory_space<vmem>>
          %dma_start3A_252 = arith.constant 0 : i32
          %dma_start3A_253 = tpu.memref_slice %arg3[%add3A_187, %dma_start3A_252] : memref<6400x128xi32, #tpu.memory_space<hbm>> -> memref<4x128xi32, #tpu.memory_space<hbm>>
          tpu.enqueue_dma source(%dma_start3A_253 : memref<4x128xi32, #tpu.memory_space<hbm>>) target(%dma_start3A_251 : memref<4x128xi32, #tpu.memory_space<vmem>>) target_semaphore(%run_scoped3A_241 : memref<!tpu.dma_semaphore, #tpu.memory_space<semaphore_mem>>)
          %dma_wait3A_254 = arith.constant 0 : i32
          %dma_wait3A_255 = arith.constant 0 : i32
          %dma_wait3A_256 = tpu.memref_slice %arg5[%run_scoped3A_188, %dma_wait3A_254, %dma_wait3A_255] : memref<2x4x128xi32, #tpu.memory_space<vmem>> -> memref<1x4x128xi32, #tpu.memory_space<vmem>>
          %dma_wait3A_257 = tpu.memref_squeeze %dma_wait3A_256 : memref<1x4x128xi32, #tpu.memory_space<vmem>> -> memref<4x128xi32, #tpu.memory_space<vmem>>
          %dma_wait3A_258 = arith.constant 0 : i32
          %dma_wait3A_259 = tpu.memref_slice %arg3[%add3A_187, %dma_wait3A_258] : memref<6400x128xi32, #tpu.memory_space<hbm>> -> memref<4x128xi32, #tpu.memory_space<hbm>>
          %dma_wait3A_260 = arith.constant 0 : i32
          %dma_wait3A_261 = arith.constant 0 : i32
          %dma_wait3A_262 = tpu.memref_slice %arg5[%run_scoped3A_188, %dma_wait3A_260, %dma_wait3A_261] : memref<2x4x128xi32, #tpu.memory_space<vmem>> -> memref<1x4x128xi32, #tpu.memory_space<vmem>>
          %dma_wait3A_263 = tpu.memref_squeeze %dma_wait3A_262 : memref<1x4x128xi32, #tpu.memory_space<vmem>> -> memref<4x128xi32, #tpu.memory_space<vmem>>
          %dma_wait3A_264 = arith.constant 0 : i32
          %dma_wait3A_265 = tpu.memref_slice %arg3[%add3A_187, %dma_wait3A_264] : memref<6400x128xi32, #tpu.memory_space<hbm>> -> memref<4x128xi32, #tpu.memory_space<hbm>>
          tpu.wait_dma2 semaphore(%run_scoped3A_241 : memref<!tpu.dma_semaphore, #tpu.memory_space<semaphore_mem>>) src(%dma_wait3A_265 : memref<4x128xi32, #tpu.memory_space<hbm>>) dst(%dma_wait3A_263 : memref<4x128xi32, #tpu.memory_space<vmem>>)
          tpu.yield
        }) : () -> ()
        %dma_start3A_189 = arith.constant 1 : i32
        %dma_start3A_190 = arith.constant 0 : i32
        %dma_start3A_191 = arith.constant 1 : i32
        %dma_start3A_192 = arith.constant 0 : i32
        %dma_start3A_193 = arith.constant 0 : i32
        %dma_start3A_194 = tpu.memref_slice %arg6[%dma_start3A_191, %dma_start3A_192, %dma_start3A_193] : memref<2x512x64xf32, #tpu.memory_space<vmem>> -> memref<1x128x64xf32, #tpu.memory_space<vmem>>
        %dma_start3A_195 = tpu.memref_squeeze %dma_start3A_194 : memref<1x128x64xf32, #tpu.memory_space<vmem>> -> memref<128x64xf32, #tpu.memory_space<vmem>>
        %dma_start3A_196 = arith.constant 0 : i32
        %dma_start3A_197 = tpu.memref_slice %arg5[%dma_start3A_189, %dma_start3A_190, %dma_start3A_196] : memref<2x4x128xi32, #tpu.memory_space<vmem>> -> memref<1x1x128xi32, #tpu.memory_space<vmem>>
        %dma_start3A_198 = tpu.memref_squeeze %dma_start3A_197 : memref<1x1x128xi32, #tpu.memory_space<vmem>> -> memref<128xi32, #tpu.memory_space<vmem>>
        %dma_start3A_199 = arith.constant 0 : i32
        %dma_start3A_200 = arith.constant 0 : i32
        %dma_start3A_201 = tpu.memref_slice %arg2[%dma_start3A_199, %dma_start3A_200] : memref<1000000x64xf32, #tpu.memory_space<hbm>> -> memref<1000000x64xf32, #tpu.memory_space<hbm>>
        tpu.enqueue_indirect_dma source(%dma_start3A_201 : memref<1000000x64xf32, #tpu.memory_space<hbm>>) target(%dma_start3A_195 : memref<128x64xf32, #tpu.memory_space<vmem>>) offsets(%dma_start3A_198 : memref<128xi32, #tpu.memory_space<vmem>>) semaphore(%arg7 : memref<!tpu.dma_semaphore, #tpu.memory_space<semaphore_mem>>)
        %dma_start3A_202 = arith.constant 1 : i32
        %dma_start3A_203 = arith.constant 1 : i32
        %dma_start3A_204 = arith.constant 1 : i32
        %dma_start3A_205 = arith.constant 128 : i32
        %dma_start3A_206 = arith.constant 0 : i32
        %dma_start3A_207 = tpu.memref_slice %arg6[%dma_start3A_204, %dma_start3A_205, %dma_start3A_206] : memref<2x512x64xf32, #tpu.memory_space<vmem>> -> memref<1x128x64xf32, #tpu.memory_space<vmem>>
        %dma_start3A_208 = tpu.memref_squeeze %dma_start3A_207 : memref<1x128x64xf32, #tpu.memory_space<vmem>> -> memref<128x64xf32, #tpu.memory_space<vmem>>
        %dma_start3A_209 = arith.constant 0 : i32
        %dma_start3A_210 = tpu.memref_slice %arg5[%dma_start3A_202, %dma_start3A_203, %dma_start3A_209] : memref<2x4x128xi32, #tpu.memory_space<vmem>> -> memref<1x1x128xi32, #tpu.memory_space<vmem>>
        %dma_start3A_211 = tpu.memref_squeeze %dma_start3A_210 : memref<1x1x128xi32, #tpu.memory_space<vmem>> -> memref<128xi32, #tpu.memory_space<vmem>>
        %dma_start3A_212 = arith.constant 0 : i32
        %dma_start3A_213 = arith.constant 0 : i32
        %dma_start3A_214 = tpu.memref_slice %arg2[%dma_start3A_212, %dma_start3A_213] : memref<1000000x64xf32, #tpu.memory_space<hbm>> -> memref<1000000x64xf32, #tpu.memory_space<hbm>>
        tpu.enqueue_indirect_dma source(%dma_start3A_214 : memref<1000000x64xf32, #tpu.memory_space<hbm>>) target(%dma_start3A_208 : memref<128x64xf32, #tpu.memory_space<vmem>>) offsets(%dma_start3A_211 : memref<128xi32, #tpu.memory_space<vmem>>) semaphore(%arg7 : memref<!tpu.dma_semaphore, #tpu.memory_space<semaphore_mem>>)
        %dma_start3A_215 = arith.constant 1 : i32
        %dma_start3A_216 = arith.constant 2 : i32
        %dma_start3A_217 = arith.constant 1 : i32
        %dma_start3A_218 = arith.constant 256 : i32
        %dma_start3A_219 = arith.constant 0 : i32
        %dma_start3A_220 = tpu.memref_slice %arg6[%dma_start3A_217, %dma_start3A_218, %dma_start3A_219] : memref<2x512x64xf32, #tpu.memory_space<vmem>> -> memref<1x128x64xf32, #tpu.memory_space<vmem>>
        %dma_start3A_221 = tpu.memref_squeeze %dma_start3A_220 : memref<1x128x64xf32, #tpu.memory_space<vmem>> -> memref<128x64xf32, #tpu.memory_space<vmem>>
        %dma_start3A_222 = arith.constant 0 : i32
        %dma_start3A_223 = tpu.memref_slice %arg5[%dma_start3A_215, %dma_start3A_216, %dma_start3A_222] : memref<2x4x128xi32, #tpu.memory_space<vmem>> -> memref<1x1x128xi32, #tpu.memory_space<vmem>>
        %dma_start3A_224 = tpu.memref_squeeze %dma_start3A_223 : memref<1x1x128xi32, #tpu.memory_space<vmem>> -> memref<128xi32, #tpu.memory_space<vmem>>
        %dma_start3A_225 = arith.constant 0 : i32
        %dma_start3A_226 = arith.constant 0 : i32
        %dma_start3A_227 = tpu.memref_slice %arg2[%dma_start3A_225, %dma_start3A_226] : memref<1000000x64xf32, #tpu.memory_space<hbm>> -> memref<1000000x64xf32, #tpu.memory_space<hbm>>
        tpu.enqueue_indirect_dma source(%dma_start3A_227 : memref<1000000x64xf32, #tpu.memory_space<hbm>>) target(%dma_start3A_221 : memref<128x64xf32, #tpu.memory_space<vmem>>) offsets(%dma_start3A_224 : memref<128xi32, #tpu.memory_space<vmem>>) semaphore(%arg7 : memref<!tpu.dma_semaphore, #tpu.memory_space<semaphore_mem>>)
        %dma_start3A_228 = arith.constant 1 : i32
        %dma_start3A_229 = arith.constant 3 : i32
        %dma_start3A_230 = arith.constant 1 : i32
        %dma_start3A_231 = arith.constant 384 : i32
        %dma_start3A_232 = arith.constant 0 : i32
        %dma_start3A_233 = tpu.memref_slice %arg6[%dma_start3A_230, %dma_start3A_231, %dma_start3A_232] : memref<2x512x64xf32, #tpu.memory_space<vmem>> -> memref<1x128x64xf32, #tpu.memory_space<vmem>>
        %dma_start3A_234 = tpu.memref_squeeze %dma_start3A_233 : memref<1x128x64xf32, #tpu.memory_space<vmem>> -> memref<128x64xf32, #tpu.memory_space<vmem>>
        %dma_start3A_235 = arith.constant 0 : i32
        %dma_start3A_236 = tpu.memref_slice %arg5[%dma_start3A_228, %dma_start3A_229, %dma_start3A_235] : memref<2x4x128xi32, #tpu.memory_space<vmem>> -> memref<1x1x128xi32, #tpu.memory_space<vmem>>
        %dma_start3A_237 = tpu.memref_squeeze %dma_start3A_236 : memref<1x1x128xi32, #tpu.memory_space<vmem>> -> memref<128xi32, #tpu.memory_space<vmem>>
        %dma_start3A_238 = arith.constant 0 : i32
        %dma_start3A_239 = arith.constant 0 : i32
        %dma_start3A_240 = tpu.memref_slice %arg2[%dma_start3A_238, %dma_start3A_239] : memref<1000000x64xf32, #tpu.memory_space<hbm>> -> memref<1000000x64xf32, #tpu.memory_space<hbm>>
        tpu.enqueue_indirect_dma source(%dma_start3A_240 : memref<1000000x64xf32, #tpu.memory_space<hbm>>) target(%dma_start3A_234 : memref<128x64xf32, #tpu.memory_space<vmem>>) offsets(%dma_start3A_237 : memref<128xi32, #tpu.memory_space<vmem>>) semaphore(%arg7 : memref<!tpu.dma_semaphore, #tpu.memory_space<semaphore_mem>>)
      } else {
      }
      %parallel_loop3A = arith.constant 0 : i32
      %parallel_loop3A_116 = arith.constant 512 : i32
      %parallel_loop3A_117 = arith.constant 1 : i32
      scf.for %parallel_loop3A_179 = %parallel_loop3A to %parallel_loop3A_116 step %parallel_loop3A_117  : i32 {
        %parallel_loop3A_180 = arith.constant 0 : i32
        %parallel_loop3A_181 = arith.index_cast %parallel_loop3A_180 : i32 to index
        %parallel_loop3A_182 = arith.index_cast %parallel_loop3A_179 : i32 to index
        %parallel_loop3A_183 = arith.constant 0 : index
        %parallel_loop3A_184 = tpu.vector_load %arg6[%parallel_loop3A_181, %parallel_loop3A_182, %parallel_loop3A_183] {strides = array<i32>} : memref<2x512x64xf32, #tpu.memory_space<vmem>>, vector<1x1x16xf32>,
        %parallel_loop3A_185 = vector.shape_cast %parallel_loop3A_184 : vector<1x1x16xf32> to vector<16xf32>
        %parallel_loop3A_186 = arith.constant 8.000000e+00 : f32
        %parallel_loop3A_187 = vector.broadcast %parallel_loop3A_186 : f32 to vector<16xf32>
        %parallel_loop3A_188 = arith.mulf %parallel_loop3A_185, %parallel_loop3A_187 : vector<16xf32>
        %parallel_loop3A_189 = arith.constant 0 : i32
        %parallel_loop3A_190 = arith.index_cast %parallel_loop3A_189 : i32 to index
        %parallel_loop3A_191 = arith.index_cast %parallel_loop3A_179 : i32 to index
        %parallel_loop3A_192 = arith.constant 0 : index
        %parallel_loop3A_193 = tpu.vector_load %arg6[%parallel_loop3A_190, %parallel_loop3A_191, %parallel_loop3A_192] {strides = array<i32>} : memref<2x512x64xf32, #tpu.memory_space<vmem>>, vector<1x1x16xf32>,
        %parallel_loop3A_194 = vector.shape_cast %parallel_loop3A_193 : vector<1x1x16xf32> to vector<16xf32>
        %parallel_loop3A_195 = vector.shape_cast %parallel_loop3A_188 : vector<16xf32> to vector<1x1x16xf32>
        tpu.vector_store %arg6[%parallel_loop3A_190, %parallel_loop3A_191, %parallel_loop3A_192], %parallel_loop3A_195 {strides = array<i32>} : memref<2x512x64xf32, #tpu.memory_space<vmem>>, vector<1x1x16xf32>,
        %parallel_loop3A_196 = arith.constant 0 : i32
        %parallel_loop3A_197 = arith.index_cast %parallel_loop3A_196 : i32 to index
        %parallel_loop3A_198 = arith.index_cast %parallel_loop3A_179 : i32 to index
        %parallel_loop3A_199 = arith.constant 16 : index
        %parallel_loop3A_200 = tpu.vector_load %arg6[%parallel_loop3A_197, %parallel_loop3A_198, %parallel_loop3A_199] {strides = array<i32>} : memref<2x512x64xf32, #tpu.memory_space<vmem>>, vector<1x1x16xf32>,
        %parallel_loop3A_201 = vector.shape_cast %parallel_loop3A_200 : vector<1x1x16xf32> to vector<16xf32>
        %parallel_loop3A_202 = arith.constant 8.000000e+00 : f32
        %parallel_loop3A_203 = vector.broadcast %parallel_loop3A_202 : f32 to vector<16xf32>
        %parallel_loop3A_204 = arith.mulf %parallel_loop3A_201, %parallel_loop3A_203 : vector<16xf32>
        %parallel_loop3A_205 = arith.constant 0 : i32
        %parallel_loop3A_206 = arith.index_cast %parallel_loop3A_205 : i32 to index
        %parallel_loop3A_207 = arith.index_cast %parallel_loop3A_179 : i32 to index
        %parallel_loop3A_208 = arith.constant 16 : index
        %parallel_loop3A_209 = tpu.vector_load %arg6[%parallel_loop3A_206, %parallel_loop3A_207, %parallel_loop3A_208] {strides = array<i32>} : memref<2x512x64xf32, #tpu.memory_space<vmem>>, vector<1x1x16xf32>,
        %parallel_loop3A_210 = vector.shape_cast %parallel_loop3A_209 : vector<1x1x16xf32> to vector<16xf32>
        %parallel_loop3A_211 = vector.shape_cast %parallel_loop3A_204 : vector<16xf32> to vector<1x1x16xf32>
        tpu.vector_store %arg6[%parallel_loop3A_206, %parallel_loop3A_207, %parallel_loop3A_208], %parallel_loop3A_211 {strides = array<i32>} : memref<2x512x64xf32, #tpu.memory_space<vmem>>, vector<1x1x16xf32>,
        %parallel_loop3A_212 = arith.constant 0 : i32
        %parallel_loop3A_213 = arith.index_cast %parallel_loop3A_212 : i32 to index
        %parallel_loop3A_214 = arith.index_cast %parallel_loop3A_179 : i32 to index
        %parallel_loop3A_215 = arith.constant 32 : index
        %parallel_loop3A_216 = tpu.vector_load %arg6[%parallel_loop3A_213, %parallel_loop3A_214, %parallel_loop3A_215] {strides = array<i32>} : memref<2x512x64xf32, #tpu.memory_space<vmem>>, vector<1x1x16xf32>,
        %parallel_loop3A_217 = vector.shape_cast %parallel_loop3A_216 : vector<1x1x16xf32> to vector<16xf32>
        %parallel_loop3A_218 = arith.constant 8.000000e+00 : f32
        %parallel_loop3A_219 = vector.broadcast %parallel_loop3A_218 : f32 to vector<16xf32>
        %parallel_loop3A_220 = arith.mulf %parallel_loop3A_217, %parallel_loop3A_219 : vector<16xf32>
        %parallel_loop3A_221 = arith.constant 0 : i32
        %parallel_loop3A_222 = arith.index_cast %parallel_loop3A_221 : i32 to index
        %parallel_loop3A_223 = arith.index_cast %parallel_loop3A_179 : i32 to index
        %parallel_loop3A_224 = arith.constant 32 : index
        %parallel_loop3A_225 = tpu.vector_load %arg6[%parallel_loop3A_222, %parallel_loop3A_223, %parallel_loop3A_224] {strides = array<i32>} : memref<2x512x64xf32, #tpu.memory_space<vmem>>, vector<1x1x16xf32>,
        %parallel_loop3A_226 = vector.shape_cast %parallel_loop3A_225 : vector<1x1x16xf32> to vector<16xf32>
        %parallel_loop3A_227 = vector.shape_cast %parallel_loop3A_220 : vector<16xf32> to vector<1x1x16xf32>
        tpu.vector_store %arg6[%parallel_loop3A_222, %parallel_loop3A_223, %parallel_loop3A_224], %parallel_loop3A_227 {strides = array<i32>} : memref<2x512x64xf32, #tpu.memory_space<vmem>>, vector<1x1x16xf32>,
        %parallel_loop3A_228 = arith.constant 0 : i32
        %parallel_loop3A_229 = arith.index_cast %parallel_loop3A_228 : i32 to index
        %parallel_loop3A_230 = arith.index_cast %parallel_loop3A_179 : i32 to index
        %parallel_loop3A_231 = arith.constant 48 : index
        %parallel_loop3A_232 = tpu.vector_load %arg6[%parallel_loop3A_229, %parallel_loop3A_230, %parallel_loop3A_231] {strides = array<i32>} : memref<2x512x64xf32, #tpu.memory_space<vmem>>, vector<1x1x16xf32>,
        %parallel_loop3A_233 = vector.shape_cast %parallel_loop3A_232 : vector<1x1x16xf32> to vector<16xf32>
        %parallel_loop3A_234 = arith.constant 8.000000e+00 : f32
        %parallel_loop3A_235 = vector.broadcast %parallel_loop3A_234 : f32 to vector<16xf32>
        %parallel_loop3A_236 = arith.mulf %parallel_loop3A_233, %parallel_loop3A_235 : vector<16xf32>
        %parallel_loop3A_237 = arith.constant 0 : i32
        %parallel_loop3A_238 = arith.index_cast %parallel_loop3A_237 : i32 to index
        %parallel_loop3A_239 = arith.index_cast %parallel_loop3A_179 : i32 to index
        %parallel_loop3A_240 = arith.constant 48 : index
        %parallel_loop3A_241 = tpu.vector_load %arg6[%parallel_loop3A_238, %parallel_loop3A_239, %parallel_loop3A_240] {strides = array<i32>} : memref<2x512x64xf32, #tpu.memory_space<vmem>>, vector<1x1x16xf32>,
        %parallel_loop3A_242 = vector.shape_cast %parallel_loop3A_241 : vector<1x1x16xf32> to vector<16xf32>
        %parallel_loop3A_243 = vector.shape_cast %parallel_loop3A_236 : vector<16xf32> to vector<1x1x16xf32>
        tpu.vector_store %arg6[%parallel_loop3A_238, %parallel_loop3A_239, %parallel_loop3A_240], %parallel_loop3A_243 {strides = array<i32>} : memref<2x512x64xf32, #tpu.memory_space<vmem>>, vector<1x1x16xf32>,
      } {sc.loop_unroll_factor = 4 : i64, sc.parallel_access}
      %mul3A_118 = arith.constant 512 : i32
      %mul3A_119 = arith.muli %add3A_96, %mul3A_118 : i32
      %add3A_120 = arith.addi %mul3A_4, %mul3A_119 : i32
      %dma_start3A_121 = arith.constant 0 : i32
      %dma_start3A_122 = arith.constant 0 : i32
      %dma_start3A_123 = arith.constant 0 : i32
      %dma_start3A_124 = tpu.memref_slice %arg6[%dma_start3A_121, %dma_start3A_122, %dma_start3A_123] : memref<2x512x64xf32, #tpu.memory_space<vmem>> -> memref<1x512x64xf32, #tpu.memory_space<vmem>>
      %dma_start3A_125 = tpu.memref_squeeze %dma_start3A_124 : memref<1x512x64xf32, #tpu.memory_space<vmem>> -> memref<512x64xf32, #tpu.memory_space<vmem>>
      %dma_start3A_126 = arith.constant 0 : i32
      %dma_start3A_127 = tpu.memref_slice %arg4[%add3A_120, %dma_start3A_126] : memref<819200x64xf32, #tpu.memory_space<hbm>> -> memref<512x64xf32, #tpu.memory_space<hbm>>
      %dma_start3A_128 = arith.constant 0 : i32
      %dma_start3A_129 = tpu.memref_slice %arg4[%add3A_120, %dma_start3A_128] : memref<819200x64xf32, #tpu.memory_space<hbm>> -> memref<512x64xf32, #tpu.memory_space<hbm>>
      %dma_start3A_130 = arith.constant 0 : i32
      %dma_start3A_131 = arith.constant 0 : i32
      %dma_start3A_132 = tpu.memref_slice %arg6[%dma_start3A_121, %dma_start3A_130, %dma_start3A_131] : memref<2x512x64xf32, #tpu.memory_space<vmem>> -> memref<1x512x64xf32, #tpu.memory_space<vmem>>
      %dma_start3A_133 = tpu.memref_squeeze %dma_start3A_132 : memref<1x512x64xf32, #tpu.memory_space<vmem>> -> memref<512x64xf32, #tpu.memory_space<vmem>>
      tpu.enqueue_dma source(%dma_start3A_133 : memref<512x64xf32, #tpu.memory_space<vmem>>) target(%dma_start3A_129 : memref<512x64xf32, #tpu.memory_space<hbm>>) target_semaphore(%arg8 : memref<!tpu.dma_semaphore, #tpu.memory_space<semaphore_mem>>)
      %mul3A_134 = arith.constant 2 : i32
      %mul3A_135 = arith.muli %mul3A_134, %scan3A_92 : i32
      %add3A_136 = arith.constant 1 : i32
      %add3A_137 = arith.addi %mul3A_135, %add3A_136 : i32
      %dma_wait3A_138 = arith.constant 1 : i32
      %dma_wait3A_139 = arith.constant 0 : i32
      %dma_wait3A_140 = arith.constant 0 : i32
      %dma_wait3A_141 = tpu.memref_slice %arg6[%dma_wait3A_138, %dma_wait3A_139, %dma_wait3A_140] : memref<2x512x64xf32, #tpu.memory_space<vmem>> -> memref<1x512x64xf32, #tpu.memory_space<vmem>>
      %dma_wait3A_142 = tpu.memref_squeeze %dma_wait3A_141 : memref<1x512x64xf32, #tpu.memory_space<vmem>> -> memref<512x64xf32, #tpu.memory_space<vmem>>
      %dma_wait3A_143 = arith.constant 0 : i32
      %dma_wait3A_144 = arith.constant 0 : i32
      %dma_wait3A_145 = tpu.memref_slice %arg4[%dma_wait3A_143, %dma_wait3A_144] : memref<819200x64xf32, #tpu.memory_space<hbm>> -> memref<512x64xf32, #tpu.memory_space<hbm>>
      %dma_wait3A_146 = arith.constant 0 : i32
      %dma_wait3A_147 = arith.constant 0 : i32
      %dma_wait3A_148 = tpu.memref_slice %arg6[%dma_wait3A_138, %dma_wait3A_146, %dma_wait3A_147] : memref<2x512x64xf32, #tpu.memory_space<vmem>> -> memref<1x512x64xf32, #tpu.memory_space<vmem>>
      %dma_wait3A_149 = tpu.memref_squeeze %dma_wait3A_148 : memref<1x512x64xf32, #tpu.memory_space<vmem>> -> memref<512x64xf32, #tpu.memory_space<vmem>>
      %dma_wait3A_150 = arith.constant 0 : i32
      %dma_wait3A_151 = arith.constant 0 : i32
      %dma_wait3A_152 = tpu.memref_slice %arg4[%dma_wait3A_150, %dma_wait3A_151] : memref<819200x64xf32, #tpu.memory_space<hbm>> -> memref<512x64xf32, #tpu.memory_space<hbm>>
      tpu.wait_dma2 semaphore(%arg7 : memref<!tpu.dma_semaphore, #tpu.memory_space<semaphore_mem>>) src(%dma_wait3A_152 : memref<512x64xf32, #tpu.memory_space<hbm>>) dst(%dma_wait3A_149 : memref<512x64xf32, #tpu.memory_space<vmem>>)
      %add3A_153 = arith.constant 1 : i32
      %add3A_154 = arith.addi %add3A_137, %add3A_153 : i32
      %lt3A_155 = arith.constant 50 : i32
      %lt3A_156 = arith.cmpi slt, %add3A_154, %lt3A_155 : i32
      %convert_element_type3A_157 = arith.extui %lt3A_156 : i1 to i32
      %cond3A_158 = arith.constant 0 : i32
      %cond3A_159 = arith.cmpi ne, %convert_element_type3A_157, %cond3A_158 : i32
      scf.if %cond3A_159 {
        %gt3A = arith.constant 0 : i32
        %gt3A_179 = arith.cmpi sgt, %add3A_137, %gt3A : i32
        %convert_element_type3A_180 = arith.extui %gt3A_179 : i1 to i32
        %cond3A_181 = arith.constant 0 : i32
        %cond3A_182 = arith.cmpi ne, %convert_element_type3A_180, %cond3A_181 : i32
        scf.if %cond3A_182 {
          %dma_wait3A_241 = arith.constant 0 : i32
          %dma_wait3A_242 = arith.constant 0 : i32
          %dma_wait3A_243 = arith.constant 0 : i32
          %dma_wait3A_244 = tpu.memref_slice %arg6[%dma_wait3A_241, %dma_wait3A_242, %dma_wait3A_243] : memref<2x512x64xf32, #tpu.memory_space<vmem>> -> memref<1x512x64xf32, #tpu.memory_space<vmem>>
          %dma_wait3A_245 = tpu.memref_squeeze %dma_wait3A_244 : memref<1x512x64xf32, #tpu.memory_space<vmem>> -> memref<512x64xf32, #tpu.memory_space<vmem>>
          %dma_wait3A_246 = arith.constant 0 : i32
          %dma_wait3A_247 = arith.constant 0 : i32
          %dma_wait3A_248 = tpu.memref_slice %arg4[%dma_wait3A_246, %dma_wait3A_247] : memref<819200x64xf32, #tpu.memory_space<hbm>> -> memref<512x64xf32, #tpu.memory_space<hbm>>
          %dma_wait3A_249 = arith.constant 0 : i32
          %dma_wait3A_250 = arith.constant 0 : i32
          %dma_wait3A_251 = tpu.memref_slice %arg4[%dma_wait3A_249, %dma_wait3A_250] : memref<819200x64xf32, #tpu.memory_space<hbm>> -> memref<512x64xf32, #tpu.memory_space<hbm>>
          %dma_wait3A_252 = arith.constant 0 : i32
          %dma_wait3A_253 = arith.constant 0 : i32
          %dma_wait3A_254 = tpu.memref_slice %arg6[%dma_wait3A_241, %dma_wait3A_252, %dma_wait3A_253] : memref<2x512x64xf32, #tpu.memory_space<vmem>> -> memref<1x512x64xf32, #tpu.memory_space<vmem>>
          %dma_wait3A_255 = tpu.memref_squeeze %dma_wait3A_254 : memref<1x512x64xf32, #tpu.memory_space<vmem>> -> memref<512x64xf32, #tpu.memory_space<vmem>>
          tpu.wait_dma2 semaphore(%arg8 : memref<!tpu.dma_semaphore, #tpu.memory_space<semaphore_mem>>) src(%dma_wait3A_255 : memref<512x64xf32, #tpu.memory_space<vmem>>) dst(%dma_wait3A_251 : memref<512x64xf32, #tpu.memory_space<hbm>>)
        } else {
        }
        %add3A_183 = arith.constant 1 : i32
        %add3A_184 = arith.addi %add3A_137, %add3A_183 : i32
        %mul3A_185 = arith.constant 4 : i32
        %mul3A_186 = arith.muli %add3A_184, %mul3A_185 : i32
        %add3A_187 = arith.addi %mul3A_2, %mul3A_186 : i32
        %run_scoped3A_188 = arith.constant 0 : i32
        "tpu.region"() ({
          %run_scoped3A_241 = tpu.sem_alloc : memref<!tpu.dma_semaphore, #tpu.memory_space<semaphore_mem>>
          %dma_start3A_242 = arith.constant 0 : i32
          %dma_start3A_243 = arith.constant 0 : i32
          %dma_start3A_244 = tpu.memref_slice %arg5[%run_scoped3A_188, %dma_start3A_242, %dma_start3A_243] : memref<2x4x128xi32, #tpu.memory_space<vmem>> -> memref<1x4x128xi32, #tpu.memory_space<vmem>>
          %dma_start3A_245 = tpu.memref_squeeze %dma_start3A_244 : memref<1x4x128xi32, #tpu.memory_space<vmem>> -> memref<4x128xi32, #tpu.memory_space<vmem>>
          %dma_start3A_246 = arith.constant 0 : i32
          %dma_start3A_247 = tpu.memref_slice %arg3[%add3A_187, %dma_start3A_246] : memref<6400x128xi32, #tpu.memory_space<hbm>> -> memref<4x128xi32, #tpu.memory_space<hbm>>
          %dma_start3A_248 = arith.constant 0 : i32
          %dma_start3A_249 = arith.constant 0 : i32
          %dma_start3A_250 = tpu.memref_slice %arg5[%run_scoped3A_188, %dma_start3A_248, %dma_start3A_249] : memref<2x4x128xi32, #tpu.memory_space<vmem>> -> memref<1x4x128xi32, #tpu.memory_space<vmem>>
          %dma_start3A_251 = tpu.memref_squeeze %dma_start3A_250 : memref<1x4x128xi32, #tpu.memory_space<vmem>> -> memref<4x128xi32, #tpu.memory_space<vmem>>
          %dma_start3A_252 = arith.constant 0 : i32
          %dma_start3A_253 = tpu.memref_slice %arg3[%add3A_187, %dma_start3A_252] : memref<6400x128xi32, #tpu.memory_space<hbm>> -> memref<4x128xi32, #tpu.memory_space<hbm>>
          tpu.enqueue_dma source(%dma_start3A_253 : memref<4x128xi32, #tpu.memory_space<hbm>>) target(%dma_start3A_251 : memref<4x128xi32, #tpu.memory_space<vmem>>) target_semaphore(%run_scoped3A_241 : memref<!tpu.dma_semaphore, #tpu.memory_space<semaphore_mem>>)
          %dma_wait3A_254 = arith.constant 0 : i32
          %dma_wait3A_255 = arith.constant 0 : i32
          %dma_wait3A_256 = tpu.memref_slice %arg5[%run_scoped3A_188, %dma_wait3A_254, %dma_wait3A_255] : memref<2x4x128xi32, #tpu.memory_space<vmem>> -> memref<1x4x128xi32, #tpu.memory_space<vmem>>
          %dma_wait3A_257 = tpu.memref_squeeze %dma_wait3A_256 : memref<1x4x128xi32, #tpu.memory_space<vmem>> -> memref<4x128xi32, #tpu.memory_space<vmem>>
          %dma_wait3A_258 = arith.constant 0 : i32
          %dma_wait3A_259 = tpu.memref_slice %arg3[%add3A_187, %dma_wait3A_258] : memref<6400x128xi32, #tpu.memory_space<hbm>> -> memref<4x128xi32, #tpu.memory_space<hbm>>
          %dma_wait3A_260 = arith.constant 0 : i32
          %dma_wait3A_261 = arith.constant 0 : i32
          %dma_wait3A_262 = tpu.memref_slice %arg5[%run_scoped3A_188, %dma_wait3A_260, %dma_wait3A_261] : memref<2x4x128xi32, #tpu.memory_space<vmem>> -> memref<1x4x128xi32, #tpu.memory_space<vmem>>
          %dma_wait3A_263 = tpu.memref_squeeze %dma_wait3A_262 : memref<1x4x128xi32, #tpu.memory_space<vmem>> -> memref<4x128xi32, #tpu.memory_space<vmem>>
          %dma_wait3A_264 = arith.constant 0 : i32
          %dma_wait3A_265 = tpu.memref_slice %arg3[%add3A_187, %dma_wait3A_264] : memref<6400x128xi32, #tpu.memory_space<hbm>> -> memref<4x128xi32, #tpu.memory_space<hbm>>
          tpu.wait_dma2 semaphore(%run_scoped3A_241 : memref<!tpu.dma_semaphore, #tpu.memory_space<semaphore_mem>>) src(%dma_wait3A_265 : memref<4x128xi32, #tpu.memory_space<hbm>>) dst(%dma_wait3A_263 : memref<4x128xi32, #tpu.memory_space<vmem>>)
          tpu.yield
        }) : () -> ()
        %dma_start3A_189 = arith.constant 0 : i32
        %dma_start3A_190 = arith.constant 0 : i32
        %dma_start3A_191 = arith.constant 0 : i32
        %dma_start3A_192 = arith.constant 0 : i32
        %dma_start3A_193 = arith.constant 0 : i32
        %dma_start3A_194 = tpu.memref_slice %arg6[%dma_start3A_191, %dma_start3A_192, %dma_start3A_193] : memref<2x512x64xf32, #tpu.memory_space<vmem>> -> memref<1x128x64xf32, #tpu.memory_space<vmem>>
        %dma_start3A_195 = tpu.memref_squeeze %dma_start3A_194 : memref<1x128x64xf32, #tpu.memory_space<vmem>> -> memref<128x64xf32, #tpu.memory_space<vmem>>
        %dma_start3A_196 = arith.constant 0 : i32
        %dma_start3A_197 = tpu.memref_slice %arg5[%dma_start3A_189, %dma_start3A_190, %dma_start3A_196] : memref<2x4x128xi32, #tpu.memory_space<vmem>> -> memref<1x1x128xi32, #tpu.memory_space<vmem>>
        %dma_start3A_198 = tpu.memref_squeeze %dma_start3A_197 : memref<1x1x128xi32, #tpu.memory_space<vmem>> -> memref<128xi32, #tpu.memory_space<vmem>>
        %dma_start3A_199 = arith.constant 0 : i32
        %dma_start3A_200 = arith.constant 0 : i32
        %dma_start3A_201 = tpu.memref_slice %arg2[%dma_start3A_199, %dma_start3A_200] : memref<1000000x64xf32, #tpu.memory_space<hbm>> -> memref<1000000x64xf32, #tpu.memory_space<hbm>>
        tpu.enqueue_indirect_dma source(%dma_start3A_201 : memref<1000000x64xf32, #tpu.memory_space<hbm>>) target(%dma_start3A_195 : memref<128x64xf32, #tpu.memory_space<vmem>>) offsets(%dma_start3A_198 : memref<128xi32, #tpu.memory_space<vmem>>) semaphore(%arg7 : memref<!tpu.dma_semaphore, #tpu.memory_space<semaphore_mem>>)
        %dma_start3A_202 = arith.constant 0 : i32
        %dma_start3A_203 = arith.constant 1 : i32
        %dma_start3A_204 = arith.constant 0 : i32
        %dma_start3A_205 = arith.constant 128 : i32
        %dma_start3A_206 = arith.constant 0 : i32
        %dma_start3A_207 = tpu.memref_slice %arg6[%dma_start3A_204, %dma_start3A_205, %dma_start3A_206] : memref<2x512x64xf32, #tpu.memory_space<vmem>> -> memref<1x128x64xf32, #tpu.memory_space<vmem>>
        %dma_start3A_208 = tpu.memref_squeeze %dma_start3A_207 : memref<1x128x64xf32, #tpu.memory_space<vmem>> -> memref<128x64xf32, #tpu.memory_space<vmem>>
        %dma_start3A_209 = arith.constant 0 : i32
        %dma_start3A_210 = tpu.memref_slice %arg5[%dma_start3A_202, %dma_start3A_203, %dma_start3A_209] : memref<2x4x128xi32, #tpu.memory_space<vmem>> -> memref<1x1x128xi32, #tpu.memory_space<vmem>>
        %dma_start3A_211 = tpu.memref_squeeze %dma_start3A_210 : memref<1x1x128xi32, #tpu.memory_space<vmem>> -> memref<128xi32, #tpu.memory_space<vmem>>
        %dma_start3A_212 = arith.constant 0 : i32
        %dma_start3A_213 = arith.constant 0 : i32
        %dma_start3A_214 = tpu.memref_slice %arg2[%dma_start3A_212, %dma_start3A_213] : memref<1000000x64xf32, #tpu.memory_space<hbm>> -> memref<1000000x64xf32, #tpu.memory_space<hbm>>
        tpu.enqueue_indirect_dma source(%dma_start3A_214 : memref<1000000x64xf32, #tpu.memory_space<hbm>>) target(%dma_start3A_208 : memref<128x64xf32, #tpu.memory_space<vmem>>) offsets(%dma_start3A_211 : memref<128xi32, #tpu.memory_space<vmem>>) semaphore(%arg7 : memref<!tpu.dma_semaphore, #tpu.memory_space<semaphore_mem>>)
        %dma_start3A_215 = arith.constant 0 : i32
        %dma_start3A_216 = arith.constant 2 : i32
        %dma_start3A_217 = arith.constant 0 : i32
        %dma_start3A_218 = arith.constant 256 : i32
        %dma_start3A_219 = arith.constant 0 : i32
        %dma_start3A_220 = tpu.memref_slice %arg6[%dma_start3A_217, %dma_start3A_218, %dma_start3A_219] : memref<2x512x64xf32, #tpu.memory_space<vmem>> -> memref<1x128x64xf32, #tpu.memory_space<vmem>>
        %dma_start3A_221 = tpu.memref_squeeze %dma_start3A_220 : memref<1x128x64xf32, #tpu.memory_space<vmem>> -> memref<128x64xf32, #tpu.memory_space<vmem>>
        %dma_start3A_222 = arith.constant 0 : i32
        %dma_start3A_223 = tpu.memref_slice %arg5[%dma_start3A_215, %dma_start3A_216, %dma_start3A_222] : memref<2x4x128xi32, #tpu.memory_space<vmem>> -> memref<1x1x128xi32, #tpu.memory_space<vmem>>
        %dma_start3A_224 = tpu.memref_squeeze %dma_start3A_223 : memref<1x1x128xi32, #tpu.memory_space<vmem>> -> memref<128xi32, #tpu.memory_space<vmem>>
        %dma_start3A_225 = arith.constant 0 : i32
        %dma_start3A_226 = arith.constant 0 : i32
        %dma_start3A_227 = tpu.memref_slice %arg2[%dma_start3A_225, %dma_start3A_226] : memref<1000000x64xf32, #tpu.memory_space<hbm>> -> memref<1000000x64xf32, #tpu.memory_space<hbm>>
        tpu.enqueue_indirect_dma source(%dma_start3A_227 : memref<1000000x64xf32, #tpu.memory_space<hbm>>) target(%dma_start3A_221 : memref<128x64xf32, #tpu.memory_space<vmem>>) offsets(%dma_start3A_224 : memref<128xi32, #tpu.memory_space<vmem>>) semaphore(%arg7 : memref<!tpu.dma_semaphore, #tpu.memory_space<semaphore_mem>>)
        %dma_start3A_228 = arith.constant 0 : i32
        %dma_start3A_229 = arith.constant 3 : i32
        %dma_start3A_230 = arith.constant 0 : i32
        %dma_start3A_231 = arith.constant 384 : i32
        %dma_start3A_232 = arith.constant 0 : i32
        %dma_start3A_233 = tpu.memref_slice %arg6[%dma_start3A_230, %dma_start3A_231, %dma_start3A_232] : memref<2x512x64xf32, #tpu.memory_space<vmem>> -> memref<1x128x64xf32, #tpu.memory_space<vmem>>
        %dma_start3A_234 = tpu.memref_squeeze %dma_start3A_233 : memref<1x128x64xf32, #tpu.memory_space<vmem>> -> memref<128x64xf32, #tpu.memory_space<vmem>>
        %dma_start3A_235 = arith.constant 0 : i32
        %dma_start3A_236 = tpu.memref_slice %arg5[%dma_start3A_228, %dma_start3A_229, %dma_start3A_235] : memref<2x4x128xi32, #tpu.memory_space<vmem>> -> memref<1x1x128xi32, #tpu.memory_space<vmem>>
        %dma_start3A_237 = tpu.memref_squeeze %dma_start3A_236 : memref<1x1x128xi32, #tpu.memory_space<vmem>> -> memref<128xi32, #tpu.memory_space<vmem>>
        %dma_start3A_238 = arith.constant 0 : i32
        %dma_start3A_239 = arith.constant 0 : i32
        %dma_start3A_240 = tpu.memref_slice %arg2[%dma_start3A_238, %dma_start3A_239] : memref<1000000x64xf32, #tpu.memory_space<hbm>> -> memref<1000000x64xf32, #tpu.memory_space<hbm>>
        tpu.enqueue_indirect_dma source(%dma_start3A_240 : memref<1000000x64xf32, #tpu.memory_space<hbm>>) target(%dma_start3A_234 : memref<128x64xf32, #tpu.memory_space<vmem>>) offsets(%dma_start3A_237 : memref<128xi32, #tpu.memory_space<vmem>>) semaphore(%arg7 : memref<!tpu.dma_semaphore, #tpu.memory_space<semaphore_mem>>)
      } else {
      }
      %parallel_loop3A_160 = arith.constant 0 : i32
      %parallel_loop3A_161 = arith.constant 512 : i32
      %parallel_loop3A_162 = arith.constant 1 : i32
      scf.for %parallel_loop3A_179 = %parallel_loop3A_160 to %parallel_loop3A_161 step %parallel_loop3A_162  : i32 {
        %parallel_loop3A_180 = arith.constant 1 : i32
        %parallel_loop3A_181 = arith.index_cast %parallel_loop3A_180 : i32 to index
        %parallel_loop3A_182 = arith.index_cast %parallel_loop3A_179 : i32 to index
        %parallel_loop3A_183 = arith.constant 0 : index
        %parallel_loop3A_184 = tpu.vector_load %arg6[%parallel_loop3A_181, %parallel_loop3A_182, %parallel_loop3A_183] {strides = array<i32>} : memref<2x512x64xf32, #tpu.memory_space<vmem>>, vector<1x1x16xf32>,
        %parallel_loop3A_185 = vector.shape_cast %parallel_loop3A_184 : vector<1x1x16xf32> to vector<16xf32>
        %parallel_loop3A_186 = arith.constant 8.000000e+00 : f32
        %parallel_loop3A_187 = vector.broadcast %parallel_loop3A_186 : f32 to vector<16xf32>
        %parallel_loop3A_188 = arith.mulf %parallel_loop3A_185, %parallel_loop3A_187 : vector<16xf32>
        %parallel_loop3A_189 = arith.constant 1 : i32
        %parallel_loop3A_190 = arith.index_cast %parallel_loop3A_189 : i32 to index
        %parallel_loop3A_191 = arith.index_cast %parallel_loop3A_179 : i32 to index
        %parallel_loop3A_192 = arith.constant 0 : index
        %parallel_loop3A_193 = tpu.vector_load %arg6[%parallel_loop3A_190, %parallel_loop3A_191, %parallel_loop3A_192] {strides = array<i32>} : memref<2x512x64xf32, #tpu.memory_space<vmem>>, vector<1x1x16xf32>,
        %parallel_loop3A_194 = vector.shape_cast %parallel_loop3A_193 : vector<1x1x16xf32> to vector<16xf32>
        %parallel_loop3A_195 = vector.shape_cast %parallel_loop3A_188 : vector<16xf32> to vector<1x1x16xf32>
        tpu.vector_store %arg6[%parallel_loop3A_190, %parallel_loop3A_191, %parallel_loop3A_192], %parallel_loop3A_195 {strides = array<i32>} : memref<2x512x64xf32, #tpu.memory_space<vmem>>, vector<1x1x16xf32>,
        %parallel_loop3A_196 = arith.constant 1 : i32
        %parallel_loop3A_197 = arith.index_cast %parallel_loop3A_196 : i32 to index
        %parallel_loop3A_198 = arith.index_cast %parallel_loop3A_179 : i32 to index
        %parallel_loop3A_199 = arith.constant 16 : index
        %parallel_loop3A_200 = tpu.vector_load %arg6[%parallel_loop3A_197, %parallel_loop3A_198, %parallel_loop3A_199] {strides = array<i32>} : memref<2x512x64xf32, #tpu.memory_space<vmem>>, vector<1x1x16xf32>,
        %parallel_loop3A_201 = vector.shape_cast %parallel_loop3A_200 : vector<1x1x16xf32> to vector<16xf32>
        %parallel_loop3A_202 = arith.constant 8.000000e+00 : f32
        %parallel_loop3A_203 = vector.broadcast %parallel_loop3A_202 : f32 to vector<16xf32>
        %parallel_loop3A_204 = arith.mulf %parallel_loop3A_201, %parallel_loop3A_203 : vector<16xf32>
        %parallel_loop3A_205 = arith.constant 1 : i32
        %parallel_loop3A_206 = arith.index_cast %parallel_loop3A_205 : i32 to index
        %parallel_loop3A_207 = arith.index_cast %parallel_loop3A_179 : i32 to index
        %parallel_loop3A_208 = arith.constant 16 : index
        %parallel_loop3A_209 = tpu.vector_load %arg6[%parallel_loop3A_206, %parallel_loop3A_207, %parallel_loop3A_208] {strides = array<i32>} : memref<2x512x64xf32, #tpu.memory_space<vmem>>, vector<1x1x16xf32>,
        %parallel_loop3A_210 = vector.shape_cast %parallel_loop3A_209 : vector<1x1x16xf32> to vector<16xf32>
        %parallel_loop3A_211 = vector.shape_cast %parallel_loop3A_204 : vector<16xf32> to vector<1x1x16xf32>
        tpu.vector_store %arg6[%parallel_loop3A_206, %parallel_loop3A_207, %parallel_loop3A_208], %parallel_loop3A_211 {strides = array<i32>} : memref<2x512x64xf32, #tpu.memory_space<vmem>>, vector<1x1x16xf32>,
        %parallel_loop3A_212 = arith.constant 1 : i32
        %parallel_loop3A_213 = arith.index_cast %parallel_loop3A_212 : i32 to index
        %parallel_loop3A_214 = arith.index_cast %parallel_loop3A_179 : i32 to index
        %parallel_loop3A_215 = arith.constant 32 : index
        %parallel_loop3A_216 = tpu.vector_load %arg6[%parallel_loop3A_213, %parallel_loop3A_214, %parallel_loop3A_215] {strides = array<i32>} : memref<2x512x64xf32, #tpu.memory_space<vmem>>, vector<1x1x16xf32>,
        %parallel_loop3A_217 = vector.shape_cast %parallel_loop3A_216 : vector<1x1x16xf32> to vector<16xf32>
        %parallel_loop3A_218 = arith.constant 8.000000e+00 : f32
        %parallel_loop3A_219 = vector.broadcast %parallel_loop3A_218 : f32 to vector<16xf32>
        %parallel_loop3A_220 = arith.mulf %parallel_loop3A_217, %parallel_loop3A_219 : vector<16xf32>
        %parallel_loop3A_221 = arith.constant 1 : i32
        %parallel_loop3A_222 = arith.index_cast %parallel_loop3A_221 : i32 to index
        %parallel_loop3A_223 = arith.index_cast %parallel_loop3A_179 : i32 to index
        %parallel_loop3A_224 = arith.constant 32 : index
        %parallel_loop3A_225 = tpu.vector_load %arg6[%parallel_loop3A_222, %parallel_loop3A_223, %parallel_loop3A_224] {strides = array<i32>} : memref<2x512x64xf32, #tpu.memory_space<vmem>>, vector<1x1x16xf32>,
        %parallel_loop3A_226 = vector.shape_cast %parallel_loop3A_225 : vector<1x1x16xf32> to vector<16xf32>
        %parallel_loop3A_227 = vector.shape_cast %parallel_loop3A_220 : vector<16xf32> to vector<1x1x16xf32>
        tpu.vector_store %arg6[%parallel_loop3A_222, %parallel_loop3A_223, %parallel_loop3A_224], %parallel_loop3A_227 {strides = array<i32>} : memref<2x512x64xf32, #tpu.memory_space<vmem>>, vector<1x1x16xf32>,
        %parallel_loop3A_228 = arith.constant 1 : i32
        %parallel_loop3A_229 = arith.index_cast %parallel_loop3A_228 : i32 to index
        %parallel_loop3A_230 = arith.index_cast %parallel_loop3A_179 : i32 to index
        %parallel_loop3A_231 = arith.constant 48 : index
        %parallel_loop3A_232 = tpu.vector_load %arg6[%parallel_loop3A_229, %parallel_loop3A_230, %parallel_loop3A_231] {strides = array<i32>} : memref<2x512x64xf32, #tpu.memory_space<vmem>>, vector<1x1x16xf32>,
        %parallel_loop3A_233 = vector.shape_cast %parallel_loop3A_232 : vector<1x1x16xf32> to vector<16xf32>
        %parallel_loop3A_234 = arith.constant 8.000000e+00 : f32
        %parallel_loop3A_235 = vector.broadcast %parallel_loop3A_234 : f32 to vector<16xf32>
        %parallel_loop3A_236 = arith.mulf %parallel_loop3A_233, %parallel_loop3A_235 : vector<16xf32>
        %parallel_loop3A_237 = arith.constant 1 : i32
        %parallel_loop3A_238 = arith.index_cast %parallel_loop3A_237 : i32 to index
        %parallel_loop3A_239 = arith.index_cast %parallel_loop3A_179 : i32 to index
        %parallel_loop3A_240 = arith.constant 48 : index
        %parallel_loop3A_241 = tpu.vector_load %arg6[%parallel_loop3A_238, %parallel_loop3A_239, %parallel_loop3A_240] {strides = array<i32>} : memref<2x512x64xf32, #tpu.memory_space<vmem>>, vector<1x1x16xf32>,
        %parallel_loop3A_242 = vector.shape_cast %parallel_loop3A_241 : vector<1x1x16xf32> to vector<16xf32>
        %parallel_loop3A_243 = vector.shape_cast %parallel_loop3A_236 : vector<16xf32> to vector<1x1x16xf32>
        tpu.vector_store %arg6[%parallel_loop3A_238, %parallel_loop3A_239, %parallel_loop3A_240], %parallel_loop3A_243 {strides = array<i32>} : memref<2x512x64xf32, #tpu.memory_space<vmem>>, vector<1x1x16xf32>,
      } {sc.loop_unroll_factor = 4 : i64, sc.parallel_access}
      %mul3A_163 = arith.constant 512 : i32
      %mul3A_164 = arith.muli %add3A_137, %mul3A_163 : i32
      %add3A_165 = arith.addi %mul3A_4, %mul3A_164 : i32
      %dma_start3A_166 = arith.constant 1 : i32
      %dma_start3A_167 = arith.constant 0 : i32
      %dma_start3A_168 = arith.constant 0 : i32
      %dma_start3A_169 = tpu.memref_slice %arg6[%dma_start3A_166, %dma_start3A_167, %dma_start3A_168] : memref<2x512x64xf32, #tpu.memory_space<vmem>> -> memref<1x512x64xf32, #tpu.memory_space<vmem>>
      %dma_start3A_170 = tpu.memref_squeeze %dma_start3A_169 : memref<1x512x64xf32, #tpu.memory_space<vmem>> -> memref<512x64xf32, #tpu.memory_space<vmem>>
      %dma_start3A_171 = arith.constant 0 : i32
      %dma_start3A_172 = tpu.memref_slice %arg4[%add3A_165, %dma_start3A_171] : memref<819200x64xf32, #tpu.memory_space<hbm>> -> memref<512x64xf32, #tpu.memory_space<hbm>>
      %dma_start3A_173 = arith.constant 0 : i32
      %dma_start3A_174 = tpu.memref_slice %arg4[%add3A_165, %dma_start3A_173] : memref<819200x64xf32, #tpu.memory_space<hbm>> -> memref<512x64xf32, #tpu.memory_space<hbm>>
      %dma_start3A_175 = arith.constant 0 : i32
      %dma_start3A_176 = arith.constant 0 : i32
      %dma_start3A_177 = tpu.memref_slice %arg6[%dma_start3A_166, %dma_start3A_175, %dma_start3A_176] : memref<2x512x64xf32, #tpu.memory_space<vmem>> -> memref<1x512x64xf32, #tpu.memory_space<vmem>>
      %dma_start3A_178 = tpu.memref_squeeze %dma_start3A_177 : memref<1x512x64xf32, #tpu.memory_space<vmem>> -> memref<512x64xf32, #tpu.memory_space<vmem>>
      tpu.enqueue_dma source(%dma_start3A_178 : memref<512x64xf32, #tpu.memory_space<vmem>>) target(%dma_start3A_174 : memref<512x64xf32, #tpu.memory_space<hbm>>) target_semaphore(%arg8 : memref<!tpu.dma_semaphore, #tpu.memory_space<semaphore_mem>>)
    }
    %scan3A_62 = arith.constant 25 : i32
    %dma_wait3A = arith.constant 0 : i32
    %dma_wait3A_63 = arith.constant 0 : i32
    %dma_wait3A_64 = arith.constant 0 : i32
    %dma_wait3A_65 = tpu.memref_slice %arg6[%dma_wait3A, %dma_wait3A_63, %dma_wait3A_64] : memref<2x512x64xf32, #tpu.memory_space<vmem>> -> memref<1x512x64xf32, #tpu.memory_space<vmem>>
    %dma_wait3A_66 = tpu.memref_squeeze %dma_wait3A_65 : memref<1x512x64xf32, #tpu.memory_space<vmem>> -> memref<512x64xf32, #tpu.memory_space<vmem>>
    %dma_wait3A_67 = arith.constant 0 : i32
    %dma_wait3A_68 = arith.constant 0 : i32
    %dma_wait3A_69 = tpu.memref_slice %arg4[%dma_wait3A_67, %dma_wait3A_68] : memref<819200x64xf32, #tpu.memory_space<hbm>> -> memref<512x64xf32, #tpu.memory_space<hbm>>
    %dma_wait3A_70 = arith.constant 0 : i32
    %dma_wait3A_71 = arith.constant 0 : i32
    %dma_wait3A_72 = tpu.memref_slice %arg4[%dma_wait3A_70, %dma_wait3A_71] : memref<819200x64xf32, #tpu.memory_space<hbm>> -> memref<512x64xf32, #tpu.memory_space<hbm>>
    %dma_wait3A_73 = arith.constant 0 : i32
    %dma_wait3A_74 = arith.constant 0 : i32
    %dma_wait3A_75 = tpu.memref_slice %arg6[%dma_wait3A, %dma_wait3A_73, %dma_wait3A_74] : memref<2x512x64xf32, #tpu.memory_space<vmem>> -> memref<1x512x64xf32, #tpu.memory_space<vmem>>
    %dma_wait3A_76 = tpu.memref_squeeze %dma_wait3A_75 : memref<1x512x64xf32, #tpu.memory_space<vmem>> -> memref<512x64xf32, #tpu.memory_space<vmem>>
    tpu.wait_dma2 semaphore(%arg8 : memref<!tpu.dma_semaphore, #tpu.memory_space<semaphore_mem>>) src(%dma_wait3A_76 : memref<512x64xf32, #tpu.memory_space<vmem>>) dst(%dma_wait3A_72 : memref<512x64xf32, #tpu.memory_space<hbm>>)
    %dma_wait3A_77 = arith.constant 1 : i32
    %dma_wait3A_78 = arith.constant 0 : i32
    %dma_wait3A_79 = arith.constant 0 : i32
    %dma_wait3A_80 = tpu.memref_slice %arg6[%dma_wait3A_77, %dma_wait3A_78, %dma_wait3A_79] : memref<2x512x64xf32, #tpu.memory_space<vmem>> -> memref<1x512x64xf32, #tpu.memory_space<vmem>>
    %dma_wait3A_81 = tpu.memref_squeeze %dma_wait3A_80 : memref<1x512x64xf32, #tpu.memory_space<vmem>> -> memref<512x64xf32, #tpu.memory_space<vmem>>
    %dma_wait3A_82 = arith.constant 0 : i32
    %dma_wait3A_83 = arith.constant 0 : i32
    %dma_wait3A_84 = tpu.memref_slice %arg4[%dma_wait3A_82, %dma_wait3A_83] : memref<819200x64xf32, #tpu.memory_space<hbm>> -> memref<512x64xf32, #tpu.memory_space<hbm>>
    %dma_wait3A_85 = arith.constant 0 : i32
    %dma_wait3A_86 = arith.constant 0 : i32
    %dma_wait3A_87 = tpu.memref_slice %arg4[%dma_wait3A_85, %dma_wait3A_86] : memref<819200x64xf32, #tpu.memory_space<hbm>> -> memref<512x64xf32, #tpu.memory_space<hbm>>
    %dma_wait3A_88 = arith.constant 0 : i32
    %dma_wait3A_89 = arith.constant 0 : i32
    %dma_wait3A_90 = tpu.memref_slice %arg6[%dma_wait3A_77, %dma_wait3A_88, %dma_wait3A_89] : memref<2x512x64xf32, #tpu.memory_space<vmem>> -> memref<1x512x64xf32, #tpu.memory_space<vmem>>
    %dma_wait3A_91 = tpu.memref_squeeze %dma_wait3A_90 : memref<1x512x64xf32, #tpu.memory_space<vmem>> -> memref<512x64xf32, #tpu.memory_space<vmem>>
    tpu.wait_dma2 semaphore(%arg8 : memref<!tpu.dma_semaphore, #tpu.memory_space<semaphore_mem>>) src(%dma_wait3A_91 : memref<512x64xf32, #tpu.memory_space<vmem>>) dst(%dma_wait3A_87 : memref<512x64xf32, #tpu.memory_space<hbm>>)
    return
  }
}

</mosaic_0001>

<sc_bundles>
// kernel: _embed.3.cloned.1.call-start
scs
__scs_entry_jumppad:
0x0: {  	(pc) =	sbr.rel $0x88, $3  }
0x1: {  	(tag) =	ssettag $0x0;
	lr =	simm.s32 $0x1  }
0x2: {  	[smem:$0x3F9F] =	sst lr;
	_ =	strace $0xD0000000  }
0x3: {  	_ = 	snop  }
0x4: {  	_ = 	snop  }
0x5: {  	_ = 	snop  }
0x6: {  	_ = 	snop  }
0x7: {  	_ = 	snop  }
__scs_overlays_trampoline_lowered:
0x8: {  	[smem:$0x3FAE] =	sst s0  }
0x9: {  	[smem:$0x3FAF] =	sst s1  }
0xa: {  	[smem:$0x3FB0] =	sst s2  }
0xb: {  	[smem:$0x3FB1] =	sst s3  }
0xc: {  	[smem:$0x3FB2] =	sst s4  }
0xd: {  	[smem:$0x3FB3] =	sst s5  }
0xe: {  	[smem:$0x3FB4] =	sst s6  }
0xf: {  	[smem:$0x3FB5] =	sst s7  }
0x10: {  	[smem:$0x3FB6] =	sst s8  }
0x11: {  	[smem:$0x3FB7] =	sst s9;
	s0 =	simm.s32 @!p0 $0x0  }
0x12: {  	s1 =	sld [smem:$0x3F9D];
	s0 =	simm.s32 @p0 $0x1  }
0x13: {  	[smem:$0x3FB8] =	sst s0;
	s0 =	simm.s32 @!p1 $0x0  }
0x14: {  	s2 =	sld [smem:$0x3F9C];
	s0 =	simm.s32 @p1 $0x1  }
0x15: {  	[smem:$0x3FB9] =	sst s0;
	s0 =	simm.s32 @!p2 $0x0  }
0x16: {  	s3 =	sld [smem:$0x3FDB];
	s0 =	simm.s32 @p2 $0x1  }
0x17: {  	s4 =	simm.s32 $0x1BF5;
	[smem:$0x3FBB] =	sst s0  }
0x18: {  	s0 =	sld [smem:$0x3F9E];
	_ =	swait.ge [sflag:s4], $0x0  }
0x19: {  	s7 =	sld [smem:$0x3F9F]  }
0x1a: {  	s8 =	sadd.s32 $0xFFFFE003, lr  }
0x1b: {  	s9 =	sadd.s32 $0xFFFFFEF7, lr;
	s5 =	simm.s32 $0xFFFFFFFF;
	p2 =	slt.u32 s8, $0xFFFFF086  }
0x1c: {  	p1 =	slt.u32 s9, $0xF7A;
	s5 =	simm.s32 @!p2 $0x0  }
0x1d: {  	s5 =	simm.s32 @p1 $0x1;
	p0 =	seq.s32 s7, s2  }
0x1e: {  	s7 =	smul.u32 @!p0 $0xF7A, s2;
	p2 =	seq.s32 @!p0 s5, $0x0  }
0x1f: {  	s9 =	smul.u32 $0xF7A, s1;
	s8 =	simm.s32 @!p0 $0x1BF5;
	p2 =	por !p2, p0  }
0x20: {  	[sflag:s8] =	ssyncset.s32 @!p0 $0xFFFFF086;
	s6 =	sadd.s32 @!p0 s3, s7;
	s7 =	simm.s32 @!p0 $0x108  }
0x21: {  	s3 =	sadd.s32 s3, s9;
	s6 =	sadd.s32 @!p0 $0x88, s6;
	s7 =	simm.s32 @p2 $0x1082  }
0x22: {  	[simem:s7], [sflag:s8] =	dma.local @!p0 [hbm:s6], $0xF7A  }
0x23: {  	s9 =	sor.u32 $0xD0000000, s2;
	s6 =	simm.s32 $0x108;
	_ =	swait.ge @!p0 [sflag:s8], $0x0  }
0x24: {  	s3 =	sadd.s32 $0x88, s3;
	s6 =	simm.s32 @!p1 $0x1082;
	[sflag:s4] =	ssyncset.s32 $0xFFFFF086  }
0x25: {  	[simem:s6], [sflag:s4] =	dma.local [hbm:s3], $0xF7A  }
0x26: {  	[smem:$0x3F9F] =	sst s1;
	(tag) =	ssettag s2;
	_ =	strace s9  }
0x27: {  	s1 =	sld [smem:$0x3FAF]  }
0x28: {  	s2 =	sld [smem:$0x3FB0]  }
0x29: {  	s4 =	sld [smem:$0x3FB2]  }
0x2a: {  	p0 =	seq.s32 s5, $0x0;
	s5 =	sld [smem:$0x3FB3]  }
0x2b: {  	s6 =	sld [smem:$0x3FB4]  }
0x2c: {  	s7 =	sld [smem:$0x3FB5]  }
0x2d: {  	s3 =	simm.s32 $0x108;
	s8 =	sld [smem:$0x3FB6]  }
0x2e: {  	s3 =	simm.s32 @!p0 $0x1082;
	s9 =	sld [smem:$0x3FB7]  }
0x2f: {  	lr =	sadd.s32 s0, s3;
	s0 =	sld [smem:$0x3FAE]  }
0x30: {  	s3 =	sld [smem:$0x3FB1]  }
0x31: {  	[smem:$0x3FBA] =	sst s10  }
0x32: {  	s10 =	sld [smem:$0x3FB8];
	_ =	sdelay $0x3  }
0x33: {  	p0 =	seq.s32 s10, $0x1;
	s10 =	sld [smem:$0x3FBA];
	_ =	sdelay $0x3  }
0x34: {  	[smem:$0x3FBA] =	sst s10  }
0x35: {  	s10 =	sld [smem:$0x3FB9];
	_ =	sdelay $0x3  }
0x36: {  	p1 =	seq.s32 s10, $0x1;
	s10 =	sld [smem:$0x3FBA];
	_ =	sdelay $0x3  }
0x37: {  	[smem:$0x3FBA] =	sst s10  }
0x38: {  	s10 =	sld [smem:$0x3FBB]  }
0x39: {  	_ = 	snop;
	(pc) =	sbr.ind lr, $3  }
0x3a: {  	_ = 	snop  }
0x3b: {  	_ = 	snop  }
0x3c: {  	p2 =	seq.s32 s10, $0x1;
	s10 =	sld [smem:$0x3FBA]  }
0x3d: {  	_ =	shalt  }
0x3e: {  	_ =	shalt  }
0x3f: {  	_ =	shalt  }
0x40: {  	_ =	shalt  }
0x41: {  	_ =	shalt  }
0x42: {  	_ =	shalt  }
0x43: {  	_ =	shalt  }
0x44: {  	_ =	shalt  }
0x45: {  	_ =	shalt  }
0x46: {  	_ =	shalt  }
0x47: {  	_ =	shalt  }
0x48: {  	_ =	shalt  }
0x49: {  	_ =	shalt  }
0x4a: {  	_ =	shalt  }
0x4b: {  	_ =	shalt  }
0x4c: {  	_ =	shalt  }
0x4d: {  	_ =	shalt  }
0x4e: {  	_ =	shalt  }
0x4f: {  	_ =	shalt  }
0x50: {  	_ =	shalt  }
0x51: {  	_ =	shalt  }
0x52: {  	_ =	shalt  }
0x53: {  	_ =	shalt  }
0x54: {  	_ =	shalt  }
0x55: {  	_ =	shalt  }
0x56: {  	_ =	shalt  }
0x57: {  	_ =	shalt  }
0x58: {  	_ =	shalt  }
0x59: {  	_ =	shalt  }
0x5a: {  	_ =	shalt  }
0x5b: {  	_ =	shalt  }
0x5c: {  	_ =	shalt  }
0x5d: {  	_ =	shalt  }
0x5e: {  	_ =	shalt  }
0x5f: {  	_ =	shalt  }
0x60: {  	_ =	shalt  }
0x61: {  	_ =	shalt  }
0x62: {  	_ =	shalt  }
0x63: {  	_ =	shalt  }
0x64: {  	_ =	shalt  }
0x65: {  	_ =	shalt  }
0x66: {  	_ =	shalt  }
0x67: {  	_ =	shalt  }
0x68: {  	_ =	shalt  }
0x69: {  	_ =	shalt  }
0x6a: {  	_ =	shalt  }
0x6b: {  	_ =	shalt  }
0x6c: {  	_ =	shalt  }
0x6d: {  	_ =	shalt  }
0x6e: {  	_ =	shalt  }
0x6f: {  	_ =	shalt  }
0x70: {  	_ =	shalt  }
0x71: {  	_ =	shalt  }
0x72: {  	_ =	shalt  }
0x73: {  	_ =	shalt  }
0x74: {  	_ =	shalt  }
0x75: {  	_ =	shalt  }
0x76: {  	_ =	shalt  }
0x77: {  	_ =	shalt  }
0x78: {  	_ =	shalt  }
0x79: {  	_ =	shalt  }
0x7a: {  	_ =	shalt  }
0x7b: {  	_ =	shalt  }
0x7c: {  	_ =	shalt  }
0x7d: {  	_ =	shalt  }
0x7e: {  	_ =	shalt  }
0x7f: {  	_ =	shalt  }
0x80: {  	_ =	shalt  }
0x81: {  	_ =	shalt  }
0x82: {  	_ =	shalt  }
0x83: {  	_ =	shalt  }
0x84: {  	_ =	shalt  }
0x85: {  	_ =	shalt  }
0x86: {  	_ =	shalt  }
0x87: {  	_ =	shalt  }
.Lfunc_end0:
.L_simem_size_0:
called_computation.1_lowered:
.L_overlay_start_0:
0x88: {  	s2 =	sld [smem:$0x3FD9]  }
0x89: {  	s3 =	sld [smem:$0x3FFE];
	_ =	sdelay $0x1  }
0x8a: {  	s1 =	srdreg.scid  }
0x8b: {  	s0 =	sand.u32 $0x1, s1  }
0x8c: {  	s17 =	sshll.u32 s0, $0xA;
	s2 =	sadd.s32 s3, s2  }
0x8d: {  	s2 =	sadd.s32 s2, s17  }
0x8e: {  	[smem:$0x3FC6] =	sst s2  }
0x8f: {  	_ = 	snop  }
0x90: {  	s2 =	sld [smem:$0x3FC8]  }
0x91: {  	s18 =	sld [smem:$0x3FD0];
	(tm) =	ssettm $0x1  }
0x92: {  	s4 =	sld [smem:$0x3FFB];
	_ =	sdelay $0x3  }
0x93: {  	_ =	strace s4  }
0x94: {  	s4 =	sld [smem:$0x3FFC];
	_ =	sdelay $0x3  }
0x95: {  	_ =	strace s4  }
0x96: {  	s4 =	sld [smem:$0x3FFD];
	_ =	sdelay $0x3  }
0x97: {  	_ =	strace s4  }
0x98: {  	_ =	strace $0x8FFFFFFF  }
0x99: {  	s19 =	sld [smem:$0x3FDB];
	_ =	sdelay $0x1  }
0x9a: {  	s5 =	simm.s32 $_scs_section_size  }
0x9b: {  	s6 =	simm.s32 $_size__tile_overlayer_lowered;
	s7 =	simm.s32 $_tile_overlayer_lowered  }
0x9c: {  	s22 =	simm.s32 $0x1BFF;
	s21 =	sshll.u32 s7, $0x1;
	s4 =	sadd.s32 s5, s19  }
0x9d: {  	s8 =	simm.s32 $0x0;
	s20 =	sshll.u32 s6, $0x1;
	s6 =	sadd.s32 s21, s4  }
0x9e: {  	[timem:s8], [sflag:s22] =	dma.local [hbm:s6], s20  }
0x9f: {  	_ =	swait.ge [sflag:s22], s20  }
0xa0: {  	s5 =	ssub.s32 $0x0, s20;
	[sflag:s22] =	ssyncset.done $0x0  }
0xa1: {  	[sflag:s22] =	ssyncadd.s32 s5;
	_ =	sdelay $0x1  }
0xa2: {  	s23 =	simm.s32 $0x1B8B  }
0xa3: {  	_ =	swait.ge [sflag:s23], $0x1  }
0xa4: {  	[sflag:s23] =	ssyncset.done $0x0  }
0xa5: {  	s25 =	simm.s32 $0x1B8E;
	s24 =	sld [smem:$0x3FFE];
	[sflag:s23] =	ssyncadd.s32 $0xFFFFFFFF  }
0xa6: {  	s26 =	simm.s32 $execute0_lowered;
	[smem:$0x3FD2] =	sst s25  }
0xa7: {  	s6 =	sshll.u32 s26, $0x1;
	_ =	strace $0x80000046;
	[dreg:$0x1] =	wrdreg $0xFFFFFFFF  }
0xa8: {  	s28 =	simm.s32 $_size_execute0_lowered;
	s4 =	sadd.s32 s4, s6;
	[dreg:$0x0] =	wrdreg $0x0  }
0xa9: {  	s6 =	sshll.u32 s28, $0x1;
	[dreg:$0x2] =	wrdreg s4  }
0xaa: {  	[dreg:$0x3] =	wrdreg s6  }
0xab: {  	[dreg:$0x4] =	wrdreg $0xC0  }
0xac: {  	_ =	task [dreg:s8], $0x5FFFF  }
0xad: {  	[dreg:$0x1] =	wrdreg $0xFFFFFFFF  }
0xae: {  	[dreg:$0x0] =	wrdreg $0x60  }
0xaf: {  	[dreg:$0x2] =	wrdreg s24  }
0xb0: {  	[dreg:$0x3] =	wrdreg s2  }
0xb1: {  	[dreg:$0x4] =	wrdreg s18  }
0xb2: {  	[dreg:$0x5] =	wrdreg $0x9  }
0xb3: {  	_ =	task.clear_ibuf [dreg:s8], $0x6FFFF;
	_ =	strace $0x90000046  }
0xb4: {  	s29 =	simm.s32 $0x9;
	_ =	strace $0x80000048  }
0xb5: {  	_ =	swait.ge [sflag:s29], $0x1  }
0xb6: {  	[sflag:s29] =	ssyncadd.s32 $0xFFFFFFFF  }
0xb7: {  	_ =	strace $0x90000048  }
0xb8: {  	_ =	sfence  }
0xb9: {  	s30 =	sld [smem:$0x0];
	_ =	sdelay $0x2  }
0xba: {  	s31 =	sshll.u32 s1, $0xD;
	s1 =	sshrl.u32 s1, $0x2  }
0xbb: {  	s3 =	sand.u32 $0x4000, s31;
	s1 =	sadd.s32 s1, s30  }
0xbc: {  	s0 =	sor.u32 s3, s0;
	s1 =	sshll.u32 s1, $0x11  }
0xbd: {  	s0 =	sor.u32 s1, s0  }
0xbe: {  	s0 =	sadd.s32 $0x8F2B, s0  }
0xbf: {  	[sflag:s0] =	ssyncadd.remote.s32 $0x1  }
0xc0: {  	_ =	sfence.sel $0xFFFF  }
0xc1: {  	[dreg:$0x0] =	wrdreg $0xFFFFFFFF;
	(pc) =	sbr.abs _section_cstart, $3  }
0xc2: {  	[dreg:$0x1] =	wrdreg $0xFFFFFFFF  }
0xc3: {  	_ =	task.clear_ibuf [dreg:s8], $0x2FFFF;
	_ =	strace $0x9FFFFFFF  }
0xc4: {  	(tm) =	ssettm $0x7FFFFFFF  }
0xc5: {  	_ =	shalt  }
tec
execute0_lowered:
.L_overlay_start_1:
0x0: {  	(tag) =	ssettag $0x1  }
0x1: {  	s0 =	rddreg [dreg:$0x0]  }
0x2: {  	s2 =	rddreg [dreg:$0x1]  }
0x3: {  	s3 =	rddreg [dreg:$0x2]  }
0x4: {  	s1 =	srdreg.scid;
	s5 =	stileid.u32  }
0x5: {  	s4 =	simm.s32 $0x0;
	s11 =	simm.s32 $0x3;
	s12 =	simm.s32 $0x80  }
0x6: {  	s13 =	simm.s32 $0x400;
	s16 =	simm.s32 $0x4400;
	s17 =	simm.s32 $0x180  }
0x7: {  	s18 =	simm.s32 $0x6400;
	s19 =	simm.s32 $0x1;
	s20 =	simm.s32 $0x200  }
0x8: {  	s21 =	simm.s32 $0x8400;
	s22 =	simm.s32 $0x280;
	s23 =	simm.s32 $0xA400  }
0x9: {  	s24 =	simm.s32 $0x300;
	s25 =	simm.s32 $0xC400;
	s26 =	simm.s32 $0x380  }
0xa: {  	s28 =	simm.s32 $0xE400;
	s1 =	sand.u32 $0x1, s1;
	s5 =	sshll.u32 s5, $0x1  }
0xb: {  	s29 =	simm.s32 $0x2;
	s30 =	simm.s32 $0x0;
	s8 =	sor.u32 s1, s5  }
0xc: {  	[smem:$0x7FF] =	sst s4;
	s1 =	ssub.s32 $0x2, s1;
	s7 =	smul.u32 $0xC80, s8  }
0xd: {  	_ =	strace $0x80000047;
	s31 =	sshrl.u32 s1, $0x1;
	s6 =	smul.u32 $0x6400, s8  }
0xe: {  	s5 =	sadd.s32 $0xF42C00, s0;
	s8 =	smul.u32 $0x190000, s8;
	s0 =	ssub.s32 s1, s31  }
0xf: {  	s7 =	sadd.s32 s2, s7;
	s9 =	sadd.s32 $0x400, s6;
	s10 =	smax.u32 s0, $0x1  }
.LBB2_1:
0x10: {  	[tilespmem:s4], [sflag:$0x3] =	stream.linear.gather [hbm4b:s7+s4], $0x200, $0x38;
	[tilespmem:$0x10400] =	vst v63  }
0x11: {  	_ =	swait.ge [sflag:s11], $0x200  }
0x12: {  	[sflag:s11] =	ssyncset.done $0x0  }
0x13: {  	[sflag:s11] =	ssyncadd.s32 $0xFFFFFE00  }
0x14: {  	[tilespmem:s13], [sflag:$0x1] =	stream.indirect.gather [hbm4b:s5+s12], $0x40, s4, s12, $0xb8;
	[tilespmem:$0x10400] =	vst v63  }
0x15: {  	s0 =	simm.s32 $0x2400  }
0x16: {  	[tilespmem:s0], [sflag:$0x1] =	stream.indirect.gather [hbm4b:s5+s12], $0x40, s12, s12, $0xb8;
	[tilespmem:$0x10400] =	vst v63  }
0x17: {  	s15 =	simm.s32 $0x100  }
0x18: {  	[tilespmem:s16], [sflag:$0x1] =	stream.indirect.gather [hbm4b:s5+s12], $0x40, s15, s12, $0xb8;
	[tilespmem:$0x10400] =	vst v63  }
0x19: {  	s31 =	simm.s32 $0x0  }
0x1a: {  	[tilespmem:s18], [sflag:$0x1] =	stream.indirect.gather [hbm4b:s5+s12], $0x40, s17, s12, $0xb8;
	[tilespmem:$0x10400] =	vst v63  }
.LBB2_2:
0x1b: {  	_ =	swait.ge [sflag:s19], $0x8000  }
0x1c: {  	s0 =	sshllo.u32 s31, $0x1;
	p0 =	seq.s32 s31, $0x0;
	[sflag:s19] =	ssyncset.done $0x0  }
0x1d: {  	s1 =	simm.s32 @!p0 $0x2;
	s14 =	sshll.u32 s0, $0x9;
	[sflag:s19] =	ssyncadd.s32 $0xFFFF8000  }
0x1e: {  	s14 =	sadd.s32 s6, s14;
	_ =	swait.ge @!p0 [sflag:s1], $0x8000  }
0x1f: {  	s14 =	sshrl.u32 s14, $0x3;
	[sflag:s1] =	ssyncset.done @!p0 $0x0  }
0x20: {  	s15 =	sadd.s32 s2, s14;
	[sflag:s1] =	ssyncadd.s32 @!p0 $0xFFFF8000  }
0x21: {  	[tilespmem:s20], [sflag:$0x3] =	stream.linear.gather [hbm4b:s15+s4], $0x200, $0x38;
	[tilespmem:$0x10400] =	vst v63  }
0x22: {  	_ =	swait.ge [sflag:s11], $0x200  }
0x23: {  	[sflag:s11] =	ssyncset.done $0x0  }
0x24: {  	[sflag:s11] =	ssyncadd.s32 $0xFFFFFE00  }
0x25: {  	[tilespmem:s21], [sflag:$0x1] =	stream.indirect.gather [hbm4b:s5+s12], $0x40, s20, s12, $0xb8;
	[tilespmem:$0x10400] =	vst v63  }
0x26: {  	_ = 	snop  }
0x27: {  	[tilespmem:s23], [sflag:$0x1] =	stream.indirect.gather [hbm4b:s5+s12], $0x40, s22, s12, $0xb8;
	[tilespmem:$0x10400] =	vst v63  }
0x28: {  	_ = 	snop  }
0x29: {  	[tilespmem:s25], [sflag:$0x1] =	stream.indirect.gather [hbm4b:s5+s12], $0x40, s24, s12, $0xb8;
	[tilespmem:$0x10400] =	vst v63  }
0x2a: {  	s1 =	simm.s32 $0x480  }
0x2b: {  	[tilespmem:s28], [sflag:$0x1] =	stream.indirect.gather [hbm4b:s5+s12], $0x40, s26, s12, $0xb8;
	[tilespmem:$0x10400] =	vst v63  }
0x2c: {  	v0 =	vld [tilespmem:s1+$0x70]  }
0x2d: {  	v1 =	vld [tilespmem:s1+$0xFFFFFF90]  }
0x2e: {  	v2 =	vld [tilespmem:s1+$0xFFFFFFA0]  }
0x2f: {  	v3 =	vld [tilespmem:s1+$0xFFFFFFB0]  }
0x30: {  	v4 =	vld [tilespmem:s1+$0xFFFFFFC0]  }
0x31: {  	v5 =	vld [tilespmem:s1+$0xFFFFFFD0];
	v0 =	vmul.f32 $8.000000000e+00, v0  }
0x32: {  	v6 =	vld [tilespmem:s1+$0xFFFFFFE0];
	v1 =	vmul.f32 $8.000000000e+00, v1  }
0x33: {  	v7 =	vld [tilespmem:s1+$0xFFFFFFF0];
	v2 =	vmul.f32 $8.000000000e+00, v2;
	[tilespmem:s1+$0x70] =	vst v0  }
0x34: {  	[tilespmem:s1+$0xFFFFFF90] =	vst v1;
	v0 =	vmul.f32 $8.000000000e+00, v3;
	v3 =	vld [tilespmem:s1+$0x0]  }
0x35: {  	[tilespmem:s1+$0xFFFFFFA0] =	vst v2;
	v1 =	vmul.f32 $8.000000000e+00, v4;
	v4 =	vld [tilespmem:s1+$0x10]  }
0x36: {  	v8 =	vld [tilespmem:s1+$0x20];
	v2 =	vmul.f32 $8.000000000e+00, v5;
	[tilespmem:s1+$0xFFFFFFB0] =	vst v0  }
0x37: {  	v5 =	vmul.f32 $8.000000000e+00, v6;
	[tilespmem:s1+$0xFFFFFFC0] =	vst v1;
	v0 =	vld [tilespmem:s1+$0x30]  }
0x38: {  	v6 =	vmul.f32 $8.000000000e+00, v7;
	[tilespmem:s1+$0xFFFFFFD0] =	vst v2;
	v1 =	vld [tilespmem:s1+$0x40]  }
0x39: {  	[tilespmem:s1+$0xFFFFFFE0] =	vst v5;
	v2 =	vld [tilespmem:s1+$0x50];
	v7 =	vmul.f32 $8.000000000e+00, v3  }
0x3a: {  	[tilespmem:s1+$0xFFFFFFF0] =	vst v6;
	v3 =	vld [tilespmem:s1+$0x60];
	v5 =	vmul.f32 $8.000000000e+00, v4  }
0x3b: {  	s14 =	simm.s32 $0x0;
	s15 =	simm.s32 $0x580;
	v6 =	vmul.f32 $8.000000000e+00, v8;
	v4 =	vld [tilespmem:s1+$0xFFFFFF80];
	[tilespmem:s1+$0x0] =	vst v7  }
.LBB2_3:
0x3c: {  	v7 =	vld [tilespmem:s15+$0x70];
	s14 =	sadd.s32 $0x4, s14;
	[tilespmem:s1+$0x10] =	vst v5;
	v0 =	vmul.f32 $8.000000000e+00, v0  }
0x3d: {  	v5 =	vld [tilespmem:s15+$0xFFFFFF90];
	p0 =	slt.u32 s14, $0x1FC;
	[tilespmem:s1+$0x20] =	vst v6;
	v1 =	vmul.f32 $8.000000000e+00, v1  }
0x3e: {  	v6 =	vld [tilespmem:s15+$0xFFFFFFA0];
	[tilespmem:s1+$0x30] =	vst v0;
	v0 =	vmul.f32 $8.000000000e+00, v2  }
0x3f: {  	v2 =	vld [tilespmem:s15+$0xFFFFFFB0];
	[tilespmem:s1+$0x40] =	vst v1;
	v1 =	vmul.f32 $8.000000000e+00, v3  }
0x40: {  	v3 =	vld [tilespmem:s15+$0xFFFFFFC0];
	v4 =	vmul.f32 $8.000000000e+00, v4;
	[tilespmem:s1+$0x50] =	vst v0  }
0x41: {  	v0 =	vld [tilespmem:s15+$0xFFFFFFD0];
	v7 =	vmul.f32 $8.000000000e+00, v7;
	[tilespmem:s1+$0x60] =	vst v1  }
0x42: {  	v1 =	vmul.f32 $8.000000000e+00, v5;
	v5 =	vld [tilespmem:s15+$0xFFFFFFE0];
	[tilespmem:s1+$0xFFFFFF80] =	vst v4;
	s1 =	smov.u32 s15  }
0x43: {  	v4 =	vmul.f32 $8.000000000e+00, v6;
	v6 =	vld [tilespmem:s15+$0xFFFFFFF0];
	[tilespmem:s15+$0x70] =	vst v7  }
0x44: {  	[tilespmem:s15+$0xFFFFFF90] =	vst v1;
	v1 =	vmul.f32 $8.000000000e+00, v2;
	v2 =	vld [tilespmem:s15+$0x0]  }
0x45: {  	[tilespmem:s15+$0xFFFFFFA0] =	vst v4;
	v3 =	vmul.f32 $8.000000000e+00, v3;
	v4 =	vld [tilespmem:s15+$0x10]  }
0x46: {  	[tilespmem:s15+$0xFFFFFFB0] =	vst v1;
	v1 =	vmul.f32 $8.000000000e+00, v0;
	v7 =	vld [tilespmem:s15+$0x20]  }
.Ltmp0:
0x47: {  	[tilespmem:s15+$0xFFFFFFC0] =	vst v3;
	v3 =	vmul.f32 $8.000000000e+00, v5;
	v0 =	vld [tilespmem:s15+$0x30];
	(pc) =	sbr.rel @p0 .LBB2_3-.Ltmp0, $4  }
0x48: {  	[tilespmem:s15+$0xFFFFFFD0] =	vst v1;
	v5 =	vmul.f32 $8.000000000e+00, v6;
	v1 =	vld [tilespmem:s15+$0x40]  }
0x49: {  	[tilespmem:s15+$0xFFFFFFE0] =	vst v3;
	v6 =	vmul.f32 $8.000000000e+00, v2;
	v2 =	vld [tilespmem:s15+$0x50]  }
0x4a: {  	[tilespmem:s15+$0xFFFFFFF0] =	vst v5;
	v5 =	vmul.f32 $8.000000000e+00, v4;
	v3 =	vld [tilespmem:s15+$0x60]  }
0x4b: {  	s15 =	sadd.s32 $0x100, s15;
	v4 =	vld [tilespmem:s1+$0xFFFFFF80];
	[tilespmem:s1+$0x0] =	vst v6;
	v6 =	vmul.f32 $8.000000000e+00, v7  }
0x4c: {  	[tilespmem:s1+$0x10] =	vst v5;
	v0 =	vmul.f32 $8.000000000e+00, v0  }
0x4d: {  	[tilespmem:s1+$0x20] =	vst v6;
	v1 =	vmul.f32 $8.000000000e+00, v1  }
0x4e: {  	[tilespmem:s1+$0x30] =	vst v0;
	v0 =	vmul.f32 $8.000000000e+00, v2  }
0x4f: {  	s14 =	sshll.u32 s31, $0x10;
	[tilespmem:s1+$0x40] =	vst v1;
	v1 =	vmul.f32 $8.000000000e+00, v3  }
0x50: {  	s14 =	sadd.s32 s8, s14;
	v2 =	vmul.f32 $8.000000000e+00, v4;
	[tilespmem:s1+$0x50] =	vst v0  }
0x51: {  	s14 =	sshrl.u32 s14, $0x3;
	[tilespmem:s1+$0x60] =	vst v1  }
0x52: {  	s15 =	sadd.s32 s3, s14;
	[tilespmem:s1+$0xFFFFFF80] =	vst v2  }
0x53: {  	[hbm4b:s15+s4] =	stream.linear.scatter [tilespmem:s13], [sflag:$0x2], $0x8000, $0x38;
	[tilespmem:$0x10400] =	vst v63  }
0x54: {  	_ =	swait.ge [sflag:s19], $0x8000  }
0x55: {  	p0 =	seq.s32 s31, $0x18;
	[sflag:s19] =	ssyncset.done $0x0  }
0x56: {  	s14 =	sshll.u32 @!p0 s31, $0xA;
	s1 =	simm.s32 @!p0 $0x2;
	[sflag:s19] =	ssyncadd.s32 $0xFFFF8000  }
0x57: {  	s14 =	sadd.s32 @!p0 s14, s9;
	_ =	swait.ge @!p0 [sflag:s1], $0x8000  }
0x58: {  	s14 =	sshrl.u32 @!p0 s14, $0x3;
	[sflag:s1] =	ssyncset.done @!p0 $0x0  }
0x59: {  	[sflag:s1] =	ssyncadd.s32 @!p0 $0xFFFF8000;
	s1 =	sadd.s32 @!p0 s2, s14;
	s14 =	simm.s32 @!p0 $0x0  }
0x5a: {  	[tilespmem:s14], [sflag:$0x3] =	stream.linear.gather @!p0 [hbm4b:s1+s14], $0x200, $0x38;
	[tilespmem:$0x10400] =	vst v63  }
0x5b: {  	s1 =	simm.s32 @!p0 $0x3  }
0x5c: {  	_ =	swait.ge @!p0 [sflag:s1], $0x200  }
0x5d: {  	[sflag:s1] =	ssyncset.done @!p0 $0x0  }
0x5e: {  	s15 =	simm.s32 @!p0 $0x400;
	[sflag:s1] =	ssyncadd.s32 @!p0 $0xFFFFFE00;
	s1 =	simm.s32 @!p0 $0x80  }
0x5f: {  	[tilespmem:s15], [sflag:$0x1] =	stream.indirect.gather @!p0 [hbm4b:s5+s1], $0x40, s14, s1, $0xb8;
	[tilespmem:$0x10400] =	vst v63  }
0x60: {  	s14 =	simm.s32 @!p0 $0x2400  }
0x61: {  	[tilespmem:s14], [sflag:$0x1] =	stream.indirect.gather @!p0 [hbm4b:s5+s1], $0x40, s1, s1, $0xb8;
	[tilespmem:$0x10400] =	vst v63  }
0x62: {  	s15 =	simm.s32 @!p0 $0x4400;
	s14 =	simm.s32 @!p0 $0x100  }
0x63: {  	[tilespmem:s15], [sflag:$0x1] =	stream.indirect.gather @!p0 [hbm4b:s5+s1], $0x40, s14, s1, $0xb8;
	[tilespmem:$0x10400] =	vst v63  }
0x64: {  	s14 =	simm.s32 @!p0 $0x180;
	s15 =	simm.s32 @!p0 $0x6400  }
0x65: {  	[tilespmem:s15], [sflag:$0x1] =	stream.indirect.gather @!p0 [hbm4b:s5+s1], $0x40, s14, s1, $0xb8;
	[tilespmem:$0x10400] =	vst v63  }
0x66: {  	s1 =	simm.s32 $0x8400  }
0x67: {  	v0 =	vld [tilespmem:s1+$0xF0]  }
0x68: {  	v1 =	vld [tilespmem:s1+$0x10]  }
0x69: {  	v2 =	vld [tilespmem:s1+$0x20]  }
0x6a: {  	v3 =	vld [tilespmem:s1+$0x30]  }
0x6b: {  	v4 =	vld [tilespmem:s1+$0x40]  }
0x6c: {  	v5 =	vld [tilespmem:s1+$0x50];
	v0 =	vmul.f32 $8.000000000e+00, v0  }
0x6d: {  	v6 =	vld [tilespmem:s1+$0x60];
	v1 =	vmul.f32 $8.000000000e+00, v1  }
0x6e: {  	v7 =	vld [tilespmem:s1+$0x70];
	v2 =	vmul.f32 $8.000000000e+00, v2;
	[tilespmem:s1+$0xF0] =	vst v0  }
0x6f: {  	[tilespmem:s1+$0x10] =	vst v1;
	v0 =	vmul.f32 $8.000000000e+00, v3;
	v3 =	vld [tilespmem:s1+$0x80]  }
0x70: {  	[tilespmem:s1+$0x20] =	vst v2;
	v1 =	vmul.f32 $8.000000000e+00, v4;
	v4 =	vld [tilespmem:s1+$0x90]  }
0x71: {  	v8 =	vld [tilespmem:s1+$0xA0];
	v2 =	vmul.f32 $8.000000000e+00, v5;
	[tilespmem:s1+$0x30] =	vst v0  }
0x72: {  	v5 =	vmul.f32 $8.000000000e+00, v6;
	[tilespmem:s1+$0x40] =	vst v1;
	v0 =	vld [tilespmem:s1+$0xB0]  }
0x73: {  	v6 =	vmul.f32 $8.000000000e+00, v7;
	[tilespmem:s1+$0x50] =	vst v2;
	v1 =	vld [tilespmem:s1+$0xC0]  }
0x74: {  	[tilespmem:s1+$0x60] =	vst v5;
	v2 =	vld [tilespmem:s1+$0xD0];
	v7 =	vmul.f32 $8.000000000e+00, v3  }
0x75: {  	[tilespmem:s1+$0x70] =	vst v6;
	v3 =	vld [tilespmem:s1+$0xE0];
	v5 =	vmul.f32 $8.000000000e+00, v4  }
0x76: {  	s14 =	simm.s32 $0x0;
	s15 =	simm.s32 $0x8500;
	v6 =	vmul.f32 $8.000000000e+00, v8;
	v4 =	vld [tilespmem:s1+$0x0];
	[tilespmem:s1+$0x80] =	vst v7  }
.LBB2_5:
0x77: {  	v7 =	vld [tilespmem:s15+$0xF0];
	s14 =	sadd.s32 $0x4, s14;
	[tilespmem:s1+$0x90] =	vst v5;
	v0 =	vmul.f32 $8.000000000e+00, v0  }
0x78: {  	v5 =	vld [tilespmem:s15+$0x10];
	p0 =	slt.u32 s14, $0x1FC;
	[tilespmem:s1+$0xA0] =	vst v6;
	v1 =	vmul.f32 $8.000000000e+00, v1  }
0x79: {  	v6 =	vld [tilespmem:s15+$0x20];
	[tilespmem:s1+$0xB0] =	vst v0;
	v0 =	vmul.f32 $8.000000000e+00, v2  }
0x7a: {  	v2 =	vld [tilespmem:s15+$0x30];
	[tilespmem:s1+$0xC0] =	vst v1;
	v1 =	vmul.f32 $8.000000000e+00, v3  }
0x7b: {  	v3 =	vld [tilespmem:s15+$0x40];
	v4 =	vmul.f32 $8.000000000e+00, v4;
	[tilespmem:s1+$0xD0] =	vst v0  }
0x7c: {  	v0 =	vld [tilespmem:s15+$0x50];
	v7 =	vmul.f32 $8.000000000e+00, v7;
	[tilespmem:s1+$0xE0] =	vst v1  }
0x7d: {  	v1 =	vmul.f32 $8.000000000e+00, v5;
	v5 =	vld [tilespmem:s15+$0x60];
	[tilespmem:s1+$0x0] =	vst v4;
	s1 =	smov.u32 s15  }
0x7e: {  	v4 =	vmul.f32 $8.000000000e+00, v6;
	v6 =	vld [tilespmem:s15+$0x70];
	[tilespmem:s15+$0xF0] =	vst v7  }
0x7f: {  	[tilespmem:s15+$0x10] =	vst v1;
	v1 =	vmul.f32 $8.000000000e+00, v2;
	v2 =	vld [tilespmem:s15+$0x80]  }
0x80: {  	[tilespmem:s15+$0x20] =	vst v4;
	v3 =	vmul.f32 $8.000000000e+00, v3;
	v4 =	vld [tilespmem:s15+$0x90]  }
0x81: {  	[tilespmem:s15+$0x30] =	vst v1;
	v1 =	vmul.f32 $8.000000000e+00, v0;
	v7 =	vld [tilespmem:s15+$0xA0]  }
.Ltmp1:
0x82: {  	[tilespmem:s15+$0x40] =	vst v3;
	v3 =	vmul.f32 $8.000000000e+00, v5;
	v0 =	vld [tilespmem:s15+$0xB0];
	(pc) =	sbr.rel @p0 .LBB2_5-.Ltmp1, $4  }
0x83: {  	[tilespmem:s15+$0x50] =	vst v1;
	v5 =	vmul.f32 $8.000000000e+00, v6;
	v1 =	vld [tilespmem:s15+$0xC0]  }
0x84: {  	[tilespmem:s15+$0x60] =	vst v3;
	v6 =	vmul.f32 $8.000000000e+00, v2;
	v2 =	vld [tilespmem:s15+$0xD0]  }
0x85: {  	[tilespmem:s15+$0x70] =	vst v5;
	v5 =	vmul.f32 $8.000000000e+00, v4;
	v3 =	vld [tilespmem:s15+$0xE0]  }
0x86: {  	s15 =	sadd.s32 $0x100, s15;
	v4 =	vld [tilespmem:s1+$0x0];
	[tilespmem:s1+$0x80] =	vst v6;
	v6 =	vmul.f32 $8.000000000e+00, v7  }
0x87: {  	[tilespmem:s1+$0x90] =	vst v5;
	v0 =	vmul.f32 $8.000000000e+00, v0  }
0x88: {  	s31 =	sadd.s32 $0x1, s31;
	[tilespmem:s1+$0xA0] =	vst v6;
	v1 =	vmul.f32 $8.000000000e+00, v1  }
0x89: {  	p0 =	sne.s32 s31, $0x19;
	[tilespmem:s1+$0xB0] =	vst v0;
	v61 =	vmul.f32 $8.000000000e+00, v2  }
.Ltmp2:
0x8a: {  	s0 =	sshll.u32 s0, $0xF;
	[tilespmem:s1+$0xC0] =	vst v1;
	v62 =	vmul.f32 $8.000000000e+00, v3;
	(pc) =	sbr.rel @p0 .LBB2_2-.Ltmp2, $4  }
0x8b: {  	s0 =	sadd.s32 s8, s0;
	v63 =	vmul.f32 $8.000000000e+00, v4;
	[tilespmem:s1+$0xD0] =	vst v61  }
0x8c: {  	s0 =	sshrl.u32 s0, $0x3;
	[tilespmem:s1+$0xE0] =	vst v62  }
0x8d: {  	s0 =	sadd.s32 s3, s0;
	[tilespmem:s1+$0x0] =	vst v63  }
0x8e: {  	[hbm4b:s0+s4] =	stream.linear.scatter [tilespmem:s21], [sflag:$0x2], $0x8000, $0x38;
	[tilespmem:$0x10400] =	vst v63  }
0x8f: {  	s30 =	sadd.s32 $0x1, s30  }
0x90: {  	_ =	swait.ge [sflag:s29], $0x8000;
	p0 =	sne.s32 s30, s10  }
.Ltmp3:
0x91: {  	[sflag:s29] =	ssyncset.done $0x0;
	(pc) =	sbr.rel @p0 .LBB2_1-.Ltmp3, $4  }
0x92: {  	[sflag:s29] =	ssyncadd.s32 $0xFFFF8000  }
0x93: {  	_ =	swait.ge [sflag:s29], $0x8000  }
0x94: {  	[sflag:s29] =	ssyncset.done $0x0  }
0x95: {  	[sflag:s29] =	ssyncadd.s32 $0xFFFF8000  }
0x96: {  	_ =	sfence.sel $0x180000  }
0x97: {  	[bflag:$0x0] =	sbarrier.arrive $0xFFFF  }
0x98: {  	_ =	strace $0x90000047  }
0x99: {  	s0 =	stileid.u32;
	[bflag:$0x2] =	sbarrier.arrive $0xFFFF  }
0x9a: {  	p0 =	sne.s32 s0, $0x0;
	s0 =	rddreg [dreg:$0x3]  }
0x9b: {  	s0 =	sadd.s32 @!p0 $0x100000, s0  }
0x9c: {  	[sflag:s0] =	ssyncadd.tile.s32 @!p0 $0x1;
	_ =	shalt  }
.Lfunc_end2:
_tile_overlayer_lowered:
.L_overlay_start_2:
0x9d: {  	(tag) =	ssettag $0x2  }
0x9e: {  	s0 =	rddreg [dreg:$0x0];
	s2 =	stileid.u32  }
0x9f: {  	s1 =	rddreg [dreg:$0x1];
	p0 =	sne.s32 s2, $0x0  }
0xa0: {  	s3 =	rddreg [dreg:$0x2];
	[bflag:$0x3] =	sbarrier.arrive $0xFFFF;
	s2 =	simm.s32 @!p0 $0x1C03  }
0xa1: {  	[timem:s3], [sflag:s2] =	dma.local @!p0 [hbm:s0], s1  }
0xa2: {  	s0 =	simm.s32 @!p0 $0x3  }
0xa3: {  	_ =	swait.ge @!p0 [sflag:s0], s1  }
0xa4: {  	s1 =	ssub.s32 @!p0 $0x0, s1;
	[sflag:s0] =	ssyncset.done @!p0 $0x0  }
0xa5: {  	[sflag:s0] =	ssyncadd.s32 @!p0 s1  }
0xa6: {  	[bflag:$0x3] =	sbarrier.arrive $0xFFFF  }
0xa7: {  	_ =	shalt  }

// kernel: sparse-core-data-format-call.cloned.1.call-start
scs
called_computation_lowered:
.L_overlay_start_0:
0x0: {  	s2 =	sld [smem:$0x3FD9]  }
0x1: {  	s3 =	sld [smem:$0x3FFE];
	_ =	sdelay $0x1  }
0x2: {  	s1 =	srdreg.scid  }
0x3: {  	s0 =	sand.u32 $0x1, s1  }
0x4: {  	s18 =	sshll.u32 s0, $0xA;
	s2 =	sadd.s32 s3, s2  }
0x5: {  	s2 =	sadd.s32 s2, s18  }
0x6: {  	[smem:$0x3FC6] =	sst s2  }
0x7: {  	_ = 	snop  }
0x8: {  	s2 =	sld [smem:$0x3FD0];
	(tm) =	ssettm $0x1  }
0x9: {  	s19 =	sld [smem:$0x3FFB];
	_ =	sdelay $0x3  }
0xa: {  	_ =	strace s19  }
0xb: {  	s3 =	sld [smem:$0x3FFC];
	_ =	sdelay $0x3  }
0xc: {  	_ =	strace s3  }
0xd: {  	s3 =	sld [smem:$0x3FFD];
	_ =	sdelay $0x3  }
0xe: {  	_ =	strace s3  }
0xf: {  	_ =	strace $0x8FFFFFFF  }
0x10: {  	s20 =	sld [smem:$0x3FDB];
	_ =	sdelay $0x1  }
0x11: {  	s4 =	simm.s32 $_scs_section_size  }
0x12: {  	s5 =	simm.s32 $_size__tile_overlayer_lowered;
	s6 =	simm.s32 $_tile_overlayer_lowered  }
0x13: {  	s23 =	simm.s32 $0x1BFF;
	s22 =	sshll.u32 s6, $0x1;
	s3 =	sadd.s32 s4, s20  }
0x14: {  	s7 =	simm.s32 $0x0;
	s21 =	sshll.u32 s5, $0x1;
	s5 =	sadd.s32 s22, s3  }
0x15: {  	[timem:s7], [sflag:s23] =	dma.local [hbm:s5], s21  }
0x16: {  	_ =	swait.ge [sflag:s23], s21  }
0x17: {  	s4 =	ssub.s32 $0x0, s21;
	[sflag:s23] =	ssyncset.done $0x0  }
0x18: {  	[sflag:s23] =	ssyncadd.s32 s4;
	_ =	sdelay $0x1  }
0x19: {  	s24 =	simm.s32 $0x1B8B  }
0x1a: {  	_ =	swait.ge [sflag:s24], $0x1  }
0x1b: {  	[sflag:s24] =	ssyncset.done $0x0  }
0x1c: {  	s26 =	simm.s32 $0x1B8E;
	s25 =	sld [smem:$0x3FFE];
	[sflag:s24] =	ssyncadd.s32 $0xFFFFFFFF  }
0x1d: {  	s27 =	simm.s32 $execute0_lowered;
	[smem:$0x3FD2] =	sst s26  }
0x1e: {  	s5 =	sshll.u32 s27, $0x1;
	_ =	strace $0x80000049;
	[dreg:$0x1] =	wrdreg $0xFFFFFFFF  }
0x1f: {  	s28 =	simm.s32 $_size_execute0_lowered;
	s3 =	sadd.s32 s3, s5;
	[dreg:$0x0] =	wrdreg $0x0  }
0x20: {  	s5 =	sshll.u32 s28, $0x1;
	[dreg:$0x2] =	wrdreg s3  }
0x21: {  	[dreg:$0x3] =	wrdreg s5  }
0x22: {  	[dreg:$0x4] =	wrdreg $0xC0  }
0x23: {  	_ =	task [dreg:s7], $0x5FFFF  }
0x24: {  	[dreg:$0x1] =	wrdreg $0xFFFFFFFF  }
0x25: {  	[dreg:$0x0] =	wrdreg $0x60  }
0x26: {  	[dreg:$0x2] =	wrdreg s25  }
0x27: {  	[dreg:$0x3] =	wrdreg s2  }
0x28: {  	[dreg:$0x4] =	wrdreg $0x9  }
0x29: {  	_ =	task.clear_ibuf [dreg:s7], $0x5FFFF;
	_ =	strace $0x90000049  }
0x2a: {  	s29 =	simm.s32 $0x9;
	_ =	strace $0x8000004B  }
0x2b: {  	_ =	swait.ge [sflag:s29], $0x1  }
0x2c: {  	[sflag:s29] =	ssyncadd.s32 $0xFFFFFFFF  }
0x2d: {  	_ =	strace $0x9000004B  }
0x2e: {  	_ =	sfence  }
0x2f: {  	s30 =	sld [smem:$0x0];
	_ =	sdelay $0x2  }
0x30: {  	s31 =	sshll.u32 s1, $0xD;
	s1 =	sshrl.u32 s1, $0x2  }
0x31: {  	s3 =	sand.u32 $0x4000, s31;
	s1 =	sadd.s32 s1, s30  }
0x32: {  	s0 =	sor.u32 s3, s0;
	s1 =	sshll.u32 s1, $0x11  }
0x33: {  	s0 =	sor.u32 s1, s0  }
0x34: {  	s0 =	sadd.s32 $0x8F2B, s0  }
0x35: {  	[sflag:s0] =	ssyncadd.remote.s32 $0x1  }
0x36: {  	_ =	sfence.sel $0xFFFF  }
0x37: {  	[dreg:$0x0] =	wrdreg $0xFFFFFFFF;
	(pc) =	sbr.abs _section_cstart, $3  }
0x38: {  	[dreg:$0x1] =	wrdreg $0xFFFFFFFF  }
0x39: {  	_ =	task.clear_ibuf [dreg:s7], $0x2FFFF;
	_ =	strace $0x9FFFFFFF  }
0x3a: {  	(tm) =	ssettm $0x7FFFFFFF  }
0x3b: {  	_ =	shalt  }
tec
execute0_lowered:
.L_overlay_start_1:
0x0: {  	(tag) =	ssettag $0x1  }
0x1: {  	s0 =	srdreg.scid  }
0x2: {  	s1 =	sshll.u32 s0, $0x4  }
0x3: {  	s4 =	rddreg [dreg:$0x0];
	s0 =	stileid.u32;
	s1 =	sand.u32 $0x10, s1  }
0x4: {  	s2 =	rddreg [dreg:$0x1];
	s7 =	simm.s32 $0x1;
	s1 =	sor.u32 s0, s1  }
0x5: {  	s8 =	simm.s32 $0x2;
	s11 =	simm.s32 $0x0;
	s3 =	sshll.u32 s1, $0x7  }
0x6: {  	s10 =	simm.s32 $0x0;
	s4 =	sadd.s32 $0x800, s4;
	s6 =	ssub.s32 $0xC8000, s3  }
.Ltmp0:
0x7: {  	s1 =	rddreg [dreg:$0x2];
	s5 =	sand.u32 $0xF80, s6;
	(pc) =	sbr.rel .LBB1_1-.Ltmp0, $4  }
0x8: {  	_ =	strace $0x8000004A;
	s9 =	smov.u32 s3;
	p0 =	sne.s32 s5, $0x0  }
0x9: {  	s6 =	sshrl.u32 s6, $0xC;
	s5 =	simm.s32 $0x1;
	s7 =	simm.s32 @!p0 $0x0  }
0xa: {  	[sflag:s5] =	ssyncpa.u1 $0x0;
	p0 =	por $0x0, $0x0;
	s6 =	sadd.s32 s7, s6  }
0xb: {  	[sflag:s8] =	ssyncpa.u1 $0x0;
	s8 =	simm.s32 $0x640000;
	s7 =	sadd.s32 $0x1, s6  }
.LBB1_4:
0xc: {  	s14 =	sshll.u32 s11, $0x3  }
0xd: {  	s30 =	sand.u32 $0x7F, s11;
	s15 =	sand.u32 $0xFFFFFC00, s14  }
0xe: {  	s11 =	sor.u32 s30, s15  }
0xf: {  	s15 =	smulhi.u32 $0x51EB851F, s11  }
0x10: {  	s14 =	smulhi.u32 $0x51EB851F, s14  }
0x11: {  	s15 =	sshrl.u32 s15, $0x12  }
0x12: {  	s14 =	sshrl.u32 s14, $0x12;
	s15 =	smul.u32 $0xC8000, s15  }
0x13: {  	s14 =	sand.u32 $0x3F, s14  }
0x14: {  	s14 =	smul.u32 $0x19000, s14;
	s11 =	ssub.s32 s11, s15  }
0x15: {  	[tilespmem:s13+$0x810 ss:$0x81] =	vst.msk $0xffff, v2;
	s15 =	sand.u32 $0x7, s11  }
0x16: {  	[tilespmem:s13+$0x1020 ss:$0x81] =	vst.msk $0xffff, v0;
	s14 =	sadd.s32 s2, s14;
	s11 =	sshrl.u32 s11, $0x3;
	s15 =	sshll.u32 s15, $0x12  }
0x17: {  	[tilespmem:s13+$0x0 ss:$0x81] =	vst.msk $0xffff, v1;
	s11 =	sadd.s32 s11, s14;
	s31 =	sor.u32 $0x400, s15  }
0x18: {  	[hbm4b:s11+s31] =	stream.strided.scatter [tilespmem:s12], [sflag:$0x2], $0x2000, s8, s31, $0x20;
	[tilespmem:$0x8080] =	vst v63  }
.LBB1_5:
0x19: {  	s13 =	sadd.s32 $0x1000, s9  }
0x1a: {  	p2 =	sgt.s32 s13, $0xC7FFF  }
0x1b: {  	s13 =	smov.u32 @p2 s3;
	p2 =	sne.s32 s10, s7  }
.Ltmp1:
0x1c: {  	p1 =	slt.u32 s10, $0x2;
	(pc) =	sbr.rel @!p2 .LBB1_6-.Ltmp1, $4  }
0x1d: {  	s12 =	simm.s32 @!p1 $0x2  }
0x1e: {  	s14 =	sadd.s32 $0x1, s10;
	_ =	swait.ge @!p1 [sflag:s12], $0x2000  }
0x1f: {  	s11 =	smov.u32 s9;
	p0 =	por !p0, !p0;
	[sflag:s12] =	ssyncset.done @!p1 $0x0  }
0x20: {  	s10 =	smov.u32 s14;
	s9 =	smov.u32 s13;
	[sflag:s12] =	ssyncadd.s32 @!p1 $0xFFFFE000  }
.LBB1_1:
0x21: {  	p1 =	sge.u32 s10, s6  }
0x22: {  	s12 =	sand.u32 @!p1 $0x1FFFFFF, s9  }
0x23: {  	s13 =	smulhi.u32 @!p1 $0x147AE15, s12;
	_ =	sdelay $0x1  }
0x24: {  	s13 =	sshrl.u32 @!p1 s13, $0xC  }
0x25: {  	s13 =	smul.u32 @!p1 $0xC8000, s13;
	_ =	sdelay $0x1  }
0x26: {  	s31 =	sadd.s32 $0xFFFFFFFF, s10;
	s14 =	sxor.u32 @!p1 $0xFFFFFFFF, s10;
	s12 =	ssub.s32 @!p1 s12, s13  }
0x27: {  	s15 =	simm.s32 @!p1 $0x80;
	s14 =	sshll.u32 @!p1 s14, $0xD;
	s12 =	sshll.u32 @!p1 s12, $0x4  }
0x28: {  	s13 =	sand.u32 @!p1 $0x2000, s14;
	s14 =	simm.s32 @!p1 $0x40;
	s12 =	sadd.s32 @!p1 s4, s12  }
0x29: {  	[tilespmem:s13], [sflag:$0x1] =	stream.strided.gather @!p1 [hbm4b:s12+s14], $0x2000, s15, s14, $0x38;
	[tilespmem:$0x8080] =	vst v63  }
0x2a: {  	p1 =	sge.u32 s31, s6  }
.Ltmp2:
0x2b: {  	_ = 	snop;
	(pc) =	sbr.rel @p1 .LBB1_5-.Ltmp2, $1  }
0x2c: {  	_ =	sdelay $0x3  }
0x2d: {  	s12 =	simm.s32 $0x1  }
0x2e: {  	_ =	swait.ge [sflag:s5], $0x2000;
	s12 =	simm.s32 @!p0 $0x0  }
0x2f: {  	[sflag:s5] =	ssyncset.done $0x0;
	s13 =	sshll.u32 s12, $0xD  }
0x30: {  	[sflag:s5] =	ssyncadd.s32 $0xFFFFE000;
	s16 =	sor.u32 $0x20, s13  }
0x31: {  	s12 =	smul.u32 $0x8100, s12;
	v3 =	vld [tilespmem:s16+$0x10]  }
0x32: {  	s30 =	sand.u32 $0x1, s10;
	v2 =	vld [tilespmem:s16+$0xFFFFFFF0]  }
0x33: {  	s13 =	smul.u32 $0x8100, s30;
	s12 =	sshrl.u32 s12, $0x2;
	v0 =	vld [tilespmem:s16+$0x0]  }
0x34: {  	v1 =	vld [tilespmem:s16+$0xFFFFFFE0];
	s14 =	sor.u32 $0x4000, s12  }
0x35: {  	s31 =	sshrl.u32 s13, $0x2;
	s13 =	sadd.s32 $0x0, s14  }
0x36: {  	s15 =	simm.s32 $0x4;
	s16 =	sadd.s32 $0x40, s16;
	s12 =	sor.u32 $0x4000, s31;
	[tilespmem:s13+$0x1830 ss:$0x81] =	vst.msk $0xffff, v3  }
.LBB1_3:
0x37: {  	v3 =	vld [tilespmem:s16+$0x10];
	p1 =	sne.s32 s15, $0x1FC;
	[tilespmem:s13+$0x810 ss:$0x81] =	vst.msk $0xffff, v2;
	s17 =	smov.u32 s15;
	s15 =	sadd.s32 $0x4, s15  }
.Ltmp3:
0x38: {  	v2 =	vld [tilespmem:s16+$0xFFFFFFF0];
	[tilespmem:s13+$0x1020 ss:$0x81] =	vst.msk $0xffff, v0;
	(pc) =	sbr.rel @p1 .LBB1_3-.Ltmp3, $4  }
0x39: {  	v0 =	vld [tilespmem:s16+$0x0];
	[tilespmem:s13+$0x0 ss:$0x81] =	vst.msk $0xffff, v1  }
0x3a: {  	s13 =	sshra.s32 s17, $0x2;
	v1 =	vld [tilespmem:s16+$0xFFFFFFE0]  }
0x3b: {  	s13 =	sadd.s32 s13, s14  }
0x3c: {  	s16 =	sadd.s32 $0x40, s16;
	[tilespmem:s13+$0x1830 ss:$0x81] =	vst.msk $0xffff, v3  }
.Ltmp4:
0x3d: {  	_ = 	snop;
	(pc) =	sbr.rel .LBB1_4-.Ltmp4, $1  }
0x3e: {  	_ =	sdelay $0x3  }
.LBB1_6:
0x3f: {  	_ =	sfence.sel $0x180000  }
0x40: {  	s2 =	simm.s32 $0x1;
	[bflag:$0x0] =	sbarrier.arrive $0xFFFF  }
0x41: {  	s31 =	simm.s32 $0x2;
	[sflag:s2] =	ssyncpa.u1 $0x1  }
0x42: {  	[sflag:s31] =	ssyncpa.u1 $0x1  }
0x43: {  	p0 =	sne.s32 s0, $0x0;
	_ =	strace $0x9000004A  }
0x44: {  	s0 =	sadd.s32 @!p0 $0x100000, s1;
	[bflag:$0x2] =	sbarrier.arrive $0xFFFF  }
0x45: {  	[sflag:s0] =	ssyncadd.tile.s32 @!p0 $0x1;
	_ =	shalt  }
.Lfunc_end1:
_tile_overlayer_lowered:
.L_overlay_start_2:
0x46: {  	(tag) =	ssettag $0x2  }
0x47: {  	s0 =	rddreg [dreg:$0x0];
	s2 =	stileid.u32  }
0x48: {  	s1 =	rddreg [dreg:$0x1];
	p0 =	sne.s32 s2, $0x0  }
0x49: {  	s3 =	rddreg [dreg:$0x2];
	[bflag:$0x3] =	sbarrier.arrive $0xFFFF;
	s2 =	simm.s32 @!p0 $0x1C01  }
0x4a: {  	[timem:s3], [sflag:s2] =	dma.local @!p0 [hbm:s0], s1  }
0x4b: {  	s0 =	simm.s32 @!p0 $0x1  }
0x4c: {  	_ =	swait.ge @!p0 [sflag:s0], s1  }
0x4d: {  	s1 =	ssub.s32 @!p0 $0x0, s1;
	[sflag:s0] =	ssyncset.done @!p0 $0x0  }
0x4e: {  	[sflag:s0] =	ssyncadd.s32 @!p0 s1  }
0x4f: {  	[bflag:$0x3] =	sbarrier.arrive $0xFFFF  }
0x50: {  	_ =	shalt  }

</sc_bundles>
